<compile_context>
chip_gen: v7x
topology: tpu7x:2x2x1
jax: 0.10.2.dev20260603
libtpu: 0.0.44.dev20260713+nightly
codegen_flags: <defaults>
</compile_context>

<pallas_src>
import functools

import jax
import jax.numpy as jnp
from jax import lax
from jax.experimental import pallas as pl
from jax.experimental.pallas import tpu as pltpu
from jax.experimental.pallas import tpu_sc as plsc

S = 2048
D = 1024
H = 16
DH = 64
E = 8
DFF = 4096
C = 512
EC = E * C
SCALE = 1.0 / (DH ** 0.5)
EPS_LN = 1e-5

NC = 2
NS = 16
NL = 16
NW = NC * NS
SLOTS_PER_W = EC // NW
TOK_PER_W = S // NW
SRC_N = EC + 8


def _ln(x, g, b):
    mu = jnp.mean(x, axis=1, keepdims=True)
    var = jnp.mean((x - mu) ** 2, axis=1, keepdims=True)
    return (x - mu) * lax.rsqrt(var + EPS_LN) * g + b


def _qkv_kern(x_ref, wq_ref, wk_ref, wv_ref, g_ref, b_ref, out_ref):
    h = _ln(x_ref[...], g_ref[...], b_ref[...])
    out_ref[:, :D] = jnp.dot(h, wq_ref[...], preferred_element_type=jnp.float32)
    out_ref[:, D:2 * D] = jnp.dot(h, wk_ref[...],
                                  preferred_element_type=jnp.float32)
    out_ref[:, 2 * D:] = jnp.dot(h, wv_ref[...],
                                 preferred_element_type=jnp.float32)


def _qkv_call(x2, wq, wk, wv, g, b):
    bm = 256
    wspec = pl.BlockSpec((D, D), lambda i: (0, 0))
    return pl.pallas_call(
        _qkv_kern,
        grid=(S // bm,),
        in_specs=[
            pl.BlockSpec((bm, D), lambda i: (i, 0)),
            wspec, wspec, wspec,
            pl.BlockSpec((1, D), lambda i: (0, 0)),
            pl.BlockSpec((1, D), lambda i: (0, 0)),
        ],
        out_specs=pl.BlockSpec((bm, 3 * D), lambda i: (i, 0)),
        out_shape=jax.ShapeDtypeStruct((S, 3 * D), jnp.float32),
    )(x2, wq, wk, wv, g, b)


def _attn_kern(q_ref, k_ref, v_ref, o_ref):
    q = q_ref[0]
    k = k_ref[0]
    v = v_ref[0]
    s = lax.dot_general(q, k, (((1,), (1,)), ((), ())),
                        preferred_element_type=jnp.float32) * SCALE
    m = jnp.max(s, axis=1, keepdims=True)
    e = jnp.exp(s - m)
    p = e / jnp.sum(e, axis=1, keepdims=True)
    o_ref[0] = jnp.dot(p, v, preferred_element_type=jnp.float32)


def _attn_call(q4, k4, v4):
    bq = 256
    return pl.pallas_call(
        _attn_kern,
        grid=(H, S // bq),
        in_specs=[
            pl.BlockSpec((1, bq, DH), lambda h, i: (h, i, 0)),
            pl.BlockSpec((1, S, DH), lambda h, i: (h, 0, 0)),
            pl.BlockSpec((1, S, DH), lambda h, i: (h, 0, 0)),
        ],
        out_specs=pl.BlockSpec((1, bq, DH), lambda h, i: (h, i, 0)),
        out_shape=jax.ShapeDtypeStruct((H, S, DH), jnp.float32),
    )(q4, k4, v4)


def _post_kern(ctx_ref, x_ref, wo_ref, g_ref, b_ref, wg_ref,
               y_ref, tok_ref, logit_ref):
    i = pl.program_id(0)
    y = x_ref[...] + jnp.dot(ctx_ref[...], wo_ref[...],
                             preferred_element_type=jnp.float32)
    y_ref[...] = y
    t = _ln(y, g_ref[...], b_ref[...])
    logit_ref[...] = jnp.dot(t, wg_ref[...], preferred_element_type=jnp.float32)
    tok_ref[...] = jnp.where(i == S // t.shape[0], jnp.zeros_like(t), t)


def _post_call(ctx2, x2, wo, g, b, wg):
    bm = 256
    nb = S // bm
    clamp = lambda i: (jnp.minimum(i, nb - 1), 0)
    return pl.pallas_call(
        _post_kern,
        grid=(nb + 1,),
        in_specs=[
            pl.BlockSpec((bm, D), clamp),
            pl.BlockSpec((bm, D), clamp),
            pl.BlockSpec((D, D), lambda i: (0, 0)),
            pl.BlockSpec((1, D), lambda i: (0, 0)),
            pl.BlockSpec((1, D), lambda i: (0, 0)),
            pl.BlockSpec((D, E), lambda i: (0, 0)),
        ],
        out_specs=[
            pl.BlockSpec((bm, D), clamp),
            pl.BlockSpec((bm, D), lambda i: (i, 0)),
            pl.BlockSpec((bm, E), clamp),
        ],
        out_shape=[
            jax.ShapeDtypeStruct((S, D), jnp.float32),
            jax.ShapeDtypeStruct((S + bm, D), jnp.float32),
            jax.ShapeDtypeStruct((S, E), jnp.float32),
        ],
    )(ctx2, x2, wo, g, b, wg)


def _gate_kern(logit_ref, sd1_ref, sd2_ref, sc1_ref, sc2_ref, g1_ref, g2_ref):
    logits = logit_ref[...]
    m = jnp.max(logits, axis=1, keepdims=True)
    ex = jnp.exp(logits - m)
    gates = ex / jnp.sum(ex, axis=1, keepdims=True)
    col = lax.broadcasted_iota(jnp.int32, (S, E), 1)
    gmax = jnp.max(gates, axis=1, keepdims=True)
    idx1 = jnp.min(jnp.where(gates == gmax, col, E), axis=1)
    mask1 = col == idx1[:, None]
    lx = jnp.where(mask1, -jnp.inf, logits)
    lmax2 = jnp.max(lx, axis=1, keepdims=True)
    idx2 = jnp.min(jnp.where(lx == lmax2, col, E), axis=1)
    mask2 = col == idx2[:, None]
    m1f = mask1.astype(jnp.float32)
    m2f = mask2.astype(jnp.float32)

    tri = (lax.broadcasted_iota(jnp.int32, (S, S), 0)
           >= lax.broadcasted_iota(jnp.int32, (S, S), 1)).astype(jnp.bfloat16)
    cs1 = jnp.dot(tri, m1f.astype(jnp.bfloat16),
                  preferred_element_type=jnp.float32)
    cs2 = jnp.dot(tri, m2f.astype(jnp.bfloat16),
                  preferred_element_type=jnp.float32)
    loc1 = cs1 - 1.0
    loc2 = cs2 - 1.0 + jnp.sum(m1f, axis=0, keepdims=True)
    keep1 = m1f * (loc1 < C).astype(jnp.float32)
    keep2 = m2f * (loc2 < C).astype(jnp.float32)
    loc1s = jnp.sum(loc1 * keep1, axis=1).astype(jnp.int32)
    loc2s = jnp.sum(loc2 * keep2, axis=1).astype(jnp.int32)
    g1s = jnp.sum(gates * keep1, axis=1)
    g2s = jnp.sum(gates * keep2, axis=1)
    denom = jnp.maximum(g1s + g2s, jnp.float32(1.1920929e-07))
    g1n = g1s / denom
    g2n = g2s / denom
    k1 = jnp.sum(keep1, axis=1) > 0.0
    k2 = jnp.sum(keep2, axis=1) > 0.0
    slot1 = idx1 * C + loc1s
    slot2 = idx2 * C + loc2s
    sd1_ref[...] = jnp.where(k1, slot1, EC)
    sd2_ref[...] = jnp.where(k2, slot2, EC)
    sc1_ref[...] = jnp.where(k1, slot1, 0)
    sc2_ref[...] = jnp.where(k2, slot2, 0)
    zl = jnp.zeros((S, NL), jnp.float32)
    g1_ref[...] = jnp.where(k1, g1n, 0.0)[:, None] + zl
    g2_ref[...] = jnp.where(k2, g2n, 0.0)[:, None] + zl


def _gate_call(logits):
    return pl.pallas_call(
        _gate_kern,
        out_shape=[
            jax.ShapeDtypeStruct((S,), jnp.int32),
            jax.ShapeDtypeStruct((S,), jnp.int32),
            jax.ShapeDtypeStruct((S,), jnp.int32),
            jax.ShapeDtypeStruct((S,), jnp.int32),
            jax.ShapeDtypeStruct((S, NL), jnp.float32),
            jax.ShapeDtypeStruct((S, NL), jnp.float32),
        ],
    )(logits)


def _ffn_kern(x_ref, w1_ref, b1_ref, w2_ref, b2_ref, o_ref):
    f = pl.program_id(1)
    xb = x_ref[0].astype(jnp.bfloat16)
    h1 = jnp.dot(xb, w1_ref[0].astype(jnp.bfloat16),
                 preferred_element_type=jnp.float32)
    h1 = jax.nn.gelu(h1 + b1_ref[0])
    part = jnp.dot(h1.astype(jnp.bfloat16), w2_ref[0].astype(jnp.bfloat16),
                   preferred_element_type=jnp.float32)

    @pl.when(f == 0)
    def _():
        o_ref[0] = part + b2_ref[0]

    @pl.when(f > 0)
    def _():
        o_ref[0] += part


def _ffn_call(disp3, w1, b1, w2, b2):
    bf = 512
    return pl.pallas_call(
        _ffn_kern,
        grid=(E, DFF // bf),
        in_specs=[
            pl.BlockSpec((1, C, D), lambda e, f: (e, 0, 0)),
            pl.BlockSpec((1, D, bf), lambda e, f: (e, 0, f)),
            pl.BlockSpec((1, 1, bf), lambda e, f: (e, 0, f)),
            pl.BlockSpec((1, bf, D), lambda e, f: (e, f, 0)),
            pl.BlockSpec((1, 1, D), lambda e, f: (e, 0, 0)),
        ],
        out_specs=pl.BlockSpec((1, C, D), lambda e, f: (e, 0, 0)),
        out_shape=jax.ShapeDtypeStruct((E, C, D), jnp.float32),
    )(disp3, w1, b1.reshape(E, 1, DFF), w2, b2.reshape(E, 1, D))


@functools.cache
def _make_dispatch():
  mesh = plsc.VectorSubcoreMesh(core_axis_name="c", subcore_axis_name="s")

  @functools.partial(
      pl.kernel,
      mesh=mesh,
      out_type=jax.ShapeDtypeStruct((EC, D), jnp.float32),
      compiler_params=pltpu.CompilerParams(needs_layout_passes=False),
      scratch_types=[
          pltpu.VMEM((SRC_N,), jnp.int32),
          pltpu.VMEM((S,), jnp.int32),
          pltpu.VMEM((S,), jnp.int32),
          pltpu.VMEM((64, D), jnp.float32),
          pltpu.SemaphoreType.DMA,
      ],
  )
  def _dispatch_sc(sd1_hbm, sd2_hbm, tokpad_hbm, disp_hbm,
                   src_v, s1_v, s2_v, rows_v, sem):
    wid = lax.axis_index("s") * NC + lax.axis_index("c")
    pltpu.sync_copy(sd1_hbm, s1_v)
    pltpu.sync_copy(sd2_hbm, s2_v)

    fill = jnp.full((NL,), S, jnp.int32)

    def init_body(i, c):
      src_v[pl.ds(i * NL, NL)] = fill
      return c

    lax.fori_loop(0, SRC_N // NL, init_body, 0)

    def scat_body(i, c):
      ids = lax.broadcasted_iota(jnp.int32, (NL,), 0) + i * NL
      plsc.store_scatter(src_v, [s1_v[pl.ds(i * NL, NL)]], ids)
      plsc.store_scatter(src_v, [s2_v[pl.ds(i * NL, NL)]], ids)
      return c

    lax.fori_loop(0, S // NL, scat_body, 0)

    base = wid * SLOTS_PER_W

    def gath_body(j, c):
      off = base + j * 64
      pltpu.async_copy(tokpad_hbm.at[src_v.at[pl.ds(off, 64)]],
                       rows_v, sem).wait()
      pltpu.sync_copy(rows_v, disp_hbm.at[pl.ds(off, 64)])
      return c

    lax.fori_loop(0, SLOTS_PER_W // 64, gath_body, 0)

  return _dispatch_sc


@functools.cache
def _make_combine():
  mesh = plsc.VectorSubcoreMesh(core_axis_name="c", subcore_axis_name="s")

  @functools.partial(
      pl.kernel,
      mesh=mesh,
      out_type=jax.ShapeDtypeStruct((S, D), jnp.float32),
      scratch_types=[
          pltpu.VMEM((TOK_PER_W,), jnp.int32),
          pltpu.VMEM((TOK_PER_W,), jnp.int32),
          pltpu.VMEM((TOK_PER_W, NL), jnp.float32),
          pltpu.VMEM((TOK_PER_W, NL), jnp.float32),
          pltpu.VMEM((32, D), jnp.float32),
          pltpu.VMEM((32, D), jnp.float32),
          pltpu.VMEM((32, D), jnp.float32),
          pltpu.SemaphoreType.DMA,
          pltpu.SemaphoreType.DMA,
      ],
  )
  def _combine_sc(h2_hbm, y_hbm, sc1_hbm, sc2_hbm, g1_hbm, g2_hbm, out_hbm,
                  i1_v, i2_v, g1_v, g2_v, r1_v, r2_v, y_v, sem1, sem2):
    wid = lax.axis_index("s") * NC + lax.axis_index("c")
    tbase = wid * TOK_PER_W
    pltpu.sync_copy(sc1_hbm.at[pl.ds(tbase, TOK_PER_W)], i1_v)
    pltpu.sync_copy(sc2_hbm.at[pl.ds(tbase, TOK_PER_W)], i2_v)
    pltpu.sync_copy(g1_hbm.at[pl.ds(tbase, TOK_PER_W)], g1_v)
    pltpu.sync_copy(g2_hbm.at[pl.ds(tbase, TOK_PER_W)], g2_v)

    for half in range(TOK_PER_W // 32):
      t0 = tbase + half * 32
      cp1 = pltpu.async_copy(h2_hbm.at[i1_v.at[pl.ds(half * 32, 32)]],
                             r1_v, sem1)
      cp2 = pltpu.async_copy(h2_hbm.at[i2_v.at[pl.ds(half * 32, 32)]],
                             r2_v, sem2)
      pltpu.sync_copy(y_hbm.at[pl.ds(t0, 32)], y_v)
      cp1.wait()
      cp2.wait()

      def tok_body(t, c):
        a = g1_v[half * 32 + t, :]
        b = g2_v[half * 32 + t, :]

        def j_body(j, cc):
          sl = pl.ds(j * NL, NL)
          y_v[t, sl] = y_v[t, sl] + a * r1_v[t, sl] + b * r2_v[t, sl]
          return cc

        lax.fori_loop(0, D // NL, j_body, 0)
        return c

      lax.fori_loop(0, 32, tok_body, 0)
      pltpu.sync_copy(y_v, out_hbm.at[pl.ds(t0, 32)])

  return _combine_sc


def kernel(x, wq, wk, wv, wo, ln1_g, ln1_b, ln2_g, ln2_b, wg, w1, b1, w2, b2):
    x2 = x.reshape(S, D)
    qkv = _qkv_call(x2, wq, wk, wv, ln1_g.reshape(1, D), ln1_b.reshape(1, D))
    q4 = qkv[:, :D].reshape(S, H, DH).transpose(1, 0, 2)
    k4 = qkv[:, D:2 * D].reshape(S, H, DH).transpose(1, 0, 2)
    v4 = qkv[:, 2 * D:].reshape(S, H, DH).transpose(1, 0, 2)
    ctx4 = _attn_call(q4, k4, v4)
    ctx2 = ctx4.transpose(1, 0, 2).reshape(S, D)
    y, tokpad, logits = _post_call(ctx2, x2, wo, ln2_g.reshape(1, D),
                                   ln2_b.reshape(1, D), wg)
    sd1, sd2, sc1, sc2, g1, g2 = _gate_call(logits)
    disp = _make_dispatch()(sd1, sd2, tokpad)
    h2 = _ffn_call(disp.reshape(E, C, D), w1, b1, w2, b2)
    out = _make_combine()(h2.reshape(EC, D), y, sc1, sc2, g1, g2)
    return out.reshape(1, S, D)

# --- scband reference (transcript-rebuilt; emitter-appended) ---
"""Pipeline reference for scband-encoder-layer-53772990545997 (READ-ONLY COPY).

The authoritative reference and input builder live on the scoring server;
editing this copy changes nothing except your own understanding.
"""

import jax, jax.numpy as jnp
import numpy as np

B, S, D = 1, 2048, 1024
H = 16
DH = D // H
E = 8
DFF = 4096
SCALE = 1.0 / np.sqrt(DH)


def layer_norm(x, g, b):
    mu = jnp.mean(x, axis=-1, keepdims=True)
    var = jnp.mean((x - mu) ** 2, axis=-1, keepdims=True)
    return (x - mu) / jnp.sqrt(var + 1e-5) * g + b


def top2gating(logits):
    gates = jax.nn.softmax(logits, axis=1)
    num_tokens, num_experts = logits.shape
    capacity = 2 * int(np.ceil(num_tokens / num_experts))
    indices1 = jnp.argmax(gates, axis=1)
    mask1 = jax.nn.one_hot(indices1, num_experts, dtype=gates.dtype)
    logits_except1 = jnp.where(mask1 > 0, -jnp.inf, logits)
    indices2 = jnp.argmax(logits_except1, axis=1)
    mask2 = jax.nn.one_hot(indices2, num_experts, dtype=gates.dtype)
    locations1 = jnp.cumsum(mask1, axis=0) - 1
    locations2 = jnp.cumsum(mask2, axis=0) - 1 + jnp.sum(mask1, axis=0, keepdims=True)
    me = jnp.mean(gates, axis=0)
    ce = jnp.mean(mask1, axis=0)
    l_aux = jnp.mean(me * ce) * num_experts * num_experts
    mask1 = mask1 * (locations1 < capacity).astype(gates.dtype)
    mask2 = mask2 * (locations2 < capacity).astype(gates.dtype)
    locations1_s = jnp.sum(locations1 * mask1, axis=1)
    locations2_s = jnp.sum(locations2 * mask2, axis=1)
    gates1_s = jnp.sum(gates * mask1, axis=1)
    gates2_s = jnp.sum(gates * mask2, axis=1)
    denom_s = jnp.maximum(gates1_s + gates2_s, np.finfo(np.float32).eps)
    gates1_s = gates1_s / denom_s
    gates2_s = gates2_s / denom_s
    locations1_sc = jax.nn.one_hot(locations1_s.astype(jnp.int32), capacity, dtype=gates.dtype)
    locations2_sc = jax.nn.one_hot(locations2_s.astype(jnp.int32), capacity, dtype=gates.dtype)
    combine1_sec = (gates1_s[:, None] * mask1)[:, :, None] * locations1_sc[:, None, :]
    combine2_sec = (gates2_s[:, None] * mask2)[:, :, None] * locations2_sc[:, None, :]
    combine_sec = combine1_sec + combine2_sec
    dispatch_mask = combine_sec > 0
    return l_aux, combine_sec, dispatch_mask


def encoder_layer(x, wq, wk, wv, wo, ln1_g, ln1_b, ln2_g, ln2_b, wg, w1, b1, w2, b2):
    residual = x
    h = layer_norm(x, ln1_g, ln1_b)
    q = (h @ wq).reshape(B, S, H, DH).transpose(0, 2, 1, 3)
    k = (h @ wk).reshape(B, S, H, DH).transpose(0, 2, 1, 3)
    v = (h @ wv).reshape(B, S, H, DH).transpose(0, 2, 1, 3)
    scores = jnp.einsum('bhqd,bhkd->bhqk', q, k) * SCALE
    probs = jax.nn.softmax(scores, axis=-1)
    ctx = jnp.einsum('bhqk,bhkd->bhqd', probs, v)
    ctx = ctx.transpose(0, 2, 1, 3).reshape(B, S, D)
    x = residual + ctx @ wo
    residual = x
    h = layer_norm(x, ln2_g, ln2_b)
    tokens = h.reshape(-1, D)
    logits = tokens @ wg
    l_aux, combine_sec, dispatch_mask = top2gating(logits)
    dispatched = jnp.einsum('sec,sm->ecm', dispatch_mask.astype(tokens.dtype), tokens)
    h1 = jax.nn.gelu(jnp.einsum('ecm,emf->ecf', dispatched, w1) + b1[:, None, :])
    h2 = jnp.einsum('ecf,efm->ecm', h1, w2) + b2[:, None, :]
    combined = jnp.einsum('sec,ecm->sm', combine_sec, h2)
    return residual + combined.reshape(B, S, D)


def setup_inputs(seed: int = 0):
    key = jax.random.key(seed)
    ks = jax.random.split(key, 8)
    s = 0.02
    return {
        'x': jax.random.normal(ks[0], (B, S, D), dtype=jnp.float32),
        'wq': jax.random.normal(ks[1], (D, D), dtype=jnp.float32) * s,
        'wk': jax.random.normal(ks[2], (D, D), dtype=jnp.float32) * s,
        'wv': jax.random.normal(ks[3], (D, D), dtype=jnp.float32) * s,
        'wo': jax.random.normal(ks[4], (D, D), dtype=jnp.float32) * s,
        'ln1_g': jnp.ones((D,), dtype=jnp.float32),
        'ln1_b': jnp.zeros((D,), dtype=jnp.float32),
        'ln2_g': jnp.ones((D,), dtype=jnp.float32),
        'ln2_b': jnp.zeros((D,), dtype=jnp.float32),
        'wg': jax.random.normal(ks[5], (D, E), dtype=jnp.float32) * s,
        'w1': jax.random.normal(ks[6], (E, D, DFF), dtype=jnp.float32) * s,
        'b1': jnp.zeros((E, DFF), dtype=jnp.float32),
        'w2': jax.random.normal(ks[7], (E, DFF, D), dtype=jnp.float32) * s,
        'b2': jnp.zeros((E, D), dtype=jnp.float32),
    }


def reference(x, wq, wk, wv, wo, ln1_g, ln1_b, ln2_g, ln2_b, wg, w1, b1, w2, b2):
    return encoder_layer(x, wq, wk, wv, wo, ln1_g, ln1_b, ln2_g, ln2_b, wg, w1, b1, w2, b2)

if __name__ == "__main__":
    import jax
    _d = setup_inputs()
    print(jax.jit(kernel)(*tuple(_d.values())))

</pallas_src>

<mosaic_0001>
#map = affine_map<(d0, d1) -> (0, 0)>
#map1 = affine_map<(d0, d1) -> (0)>
module attributes {stable_mosaic.version = 14 : i64} {
  func.func @_combine_sc(%arg0: i32, %arg1: i32, %arg2: memref<4096x1024xf32, #tpu.memory_space<hbm>>, %arg3: memref<2048x1024xf32, #tpu.memory_space<hbm>>, %arg4: memref<2048xi32, #tpu.memory_space<hbm>>, %arg5: memref<2048xi32, #tpu.memory_space<hbm>>, %arg6: memref<2048x16xf32, #tpu.memory_space<hbm>>, %arg7: memref<2048x16xf32, #tpu.memory_space<hbm>>, %arg8: memref<2048x1024xf32, #tpu.memory_space<hbm>>, %arg9: memref<64xi32, #tpu.memory_space<vmem>>, %arg10: memref<64xi32, #tpu.memory_space<vmem>>, %arg11: memref<64x16xf32, #tpu.memory_space<vmem>>, %arg12: memref<64x16xf32, #tpu.memory_space<vmem>>, %arg13: memref<32x1024xf32, #tpu.memory_space<vmem>>, %arg14: memref<32x1024xf32, #tpu.memory_space<vmem>>, %arg15: memref<32x1024xf32, #tpu.memory_space<vmem>>, %arg16: memref<!tpu.dma_semaphore, #tpu.memory_space<semaphore_mem>>, %arg17: memref<!tpu.dma_semaphore, #tpu.memory_space<semaphore_mem>>) attributes {dimension_semantics = [#tpu.dimension_semantics<core_parallel>, #tpu.dimension_semantics<subcore_parallel>], iteration_bounds = array<i64: 2, 16>, scalar_prefetch = 0 : i64, scratch_operands = 9 : i64, tpu.core_type = #tpu.core_type<sc_vector_subcore>, window_params = [{transform_indices = #map}, {transform_indices = #map}, {transform_indices = #map1}, {transform_indices = #map1}, {transform_indices = #map}, {transform_indices = #map}, {transform_indices = #map}]} {
    %mul3A = arith.constant 2 : i32
    %mul3A_0 = arith.muli %arg1, %mul3A : i32
    %add3A = arith.addi %mul3A_0, %arg0 : i32
    %mul3A_1 = arith.constant 64 : i32
    %mul3A_2 = arith.muli %add3A, %mul3A_1 : i32
    "tpu.region"() ({
      %run_scoped3A = tpu.sem_alloc : memref<!tpu.dma_semaphore, #tpu.memory_space<semaphore_mem>>
      %dma_start3A_56 = tpu.memref_slice %arg4[%mul3A_2] : memref<2048xi32, #tpu.memory_space<hbm>> -> memref<64xi32, #tpu.memory_space<hbm>>
      %dma_start3A_57 = tpu.memref_slice %arg4[%mul3A_2] : memref<2048xi32, #tpu.memory_space<hbm>> -> memref<64xi32, #tpu.memory_space<hbm>>
      tpu.enqueue_dma source(%dma_start3A_57 : memref<64xi32, #tpu.memory_space<hbm>>) target(%arg9 : memref<64xi32, #tpu.memory_space<vmem>>) target_semaphore(%run_scoped3A : memref<!tpu.dma_semaphore, #tpu.memory_space<semaphore_mem>>)
      %dma_wait3A_58 = tpu.memref_slice %arg4[%mul3A_2] : memref<2048xi32, #tpu.memory_space<hbm>> -> memref<64xi32, #tpu.memory_space<hbm>>
      %dma_wait3A_59 = tpu.memref_slice %arg4[%mul3A_2] : memref<2048xi32, #tpu.memory_space<hbm>> -> memref<64xi32, #tpu.memory_space<hbm>>
      tpu.wait_dma2 semaphore(%run_scoped3A : memref<!tpu.dma_semaphore, #tpu.memory_space<semaphore_mem>>) src(%dma_wait3A_59 : memref<64xi32, #tpu.memory_space<hbm>>) dst(%arg9 : memref<64xi32, #tpu.memory_space<vmem>>)
      tpu.yield
    }) : () -> ()
    "tpu.region"() ({
      %run_scoped3A = tpu.sem_alloc : memref<!tpu.dma_semaphore, #tpu.memory_space<semaphore_mem>>
      %dma_start3A_56 = tpu.memref_slice %arg5[%mul3A_2] : memref<2048xi32, #tpu.memory_space<hbm>> -> memref<64xi32, #tpu.memory_space<hbm>>
      %dma_start3A_57 = tpu.memref_slice %arg5[%mul3A_2] : memref<2048xi32, #tpu.memory_space<hbm>> -> memref<64xi32, #tpu.memory_space<hbm>>
      tpu.enqueue_dma source(%dma_start3A_57 : memref<64xi32, #tpu.memory_space<hbm>>) target(%arg10 : memref<64xi32, #tpu.memory_space<vmem>>) target_semaphore(%run_scoped3A : memref<!tpu.dma_semaphore, #tpu.memory_space<semaphore_mem>>)
      %dma_wait3A_58 = tpu.memref_slice %arg5[%mul3A_2] : memref<2048xi32, #tpu.memory_space<hbm>> -> memref<64xi32, #tpu.memory_space<hbm>>
      %dma_wait3A_59 = tpu.memref_slice %arg5[%mul3A_2] : memref<2048xi32, #tpu.memory_space<hbm>> -> memref<64xi32, #tpu.memory_space<hbm>>
      tpu.wait_dma2 semaphore(%run_scoped3A : memref<!tpu.dma_semaphore, #tpu.memory_space<semaphore_mem>>) src(%dma_wait3A_59 : memref<64xi32, #tpu.memory_space<hbm>>) dst(%arg10 : memref<64xi32, #tpu.memory_space<vmem>>)
      tpu.yield
    }) : () -> ()
    "tpu.region"() ({
      %run_scoped3A = tpu.sem_alloc : memref<!tpu.dma_semaphore, #tpu.memory_space<semaphore_mem>>
      %dma_start3A_56 = arith.constant 0 : i32
      %dma_start3A_57 = tpu.memref_slice %arg6[%mul3A_2, %dma_start3A_56] : memref<2048x16xf32, #tpu.memory_space<hbm>> -> memref<64x16xf32, #tpu.memory_space<hbm>>
      %dma_start3A_58 = arith.constant 0 : i32
      %dma_start3A_59 = tpu.memref_slice %arg6[%mul3A_2, %dma_start3A_58] : memref<2048x16xf32, #tpu.memory_space<hbm>> -> memref<64x16xf32, #tpu.memory_space<hbm>>
      tpu.enqueue_dma source(%dma_start3A_59 : memref<64x16xf32, #tpu.memory_space<hbm>>) target(%arg11 : memref<64x16xf32, #tpu.memory_space<vmem>>) target_semaphore(%run_scoped3A : memref<!tpu.dma_semaphore, #tpu.memory_space<semaphore_mem>>)
      %dma_wait3A_60 = arith.constant 0 : i32
      %dma_wait3A_61 = tpu.memref_slice %arg6[%mul3A_2, %dma_wait3A_60] : memref<2048x16xf32, #tpu.memory_space<hbm>> -> memref<64x16xf32, #tpu.memory_space<hbm>>
      %dma_wait3A_62 = arith.constant 0 : i32
      %dma_wait3A_63 = tpu.memref_slice %arg6[%mul3A_2, %dma_wait3A_62] : memref<2048x16xf32, #tpu.memory_space<hbm>> -> memref<64x16xf32, #tpu.memory_space<hbm>>
      tpu.wait_dma2 semaphore(%run_scoped3A : memref<!tpu.dma_semaphore, #tpu.memory_space<semaphore_mem>>) src(%dma_wait3A_63 : memref<64x16xf32, #tpu.memory_space<hbm>>) dst(%arg11 : memref<64x16xf32, #tpu.memory_space<vmem>>)
      tpu.yield
    }) : () -> ()
    "tpu.region"() ({
      %run_scoped3A = tpu.sem_alloc : memref<!tpu.dma_semaphore, #tpu.memory_space<semaphore_mem>>
      %dma_start3A_56 = arith.constant 0 : i32
      %dma_start3A_57 = tpu.memref_slice %arg7[%mul3A_2, %dma_start3A_56] : memref<2048x16xf32, #tpu.memory_space<hbm>> -> memref<64x16xf32, #tpu.memory_space<hbm>>
      %dma_start3A_58 = arith.constant 0 : i32
      %dma_start3A_59 = tpu.memref_slice %arg7[%mul3A_2, %dma_start3A_58] : memref<2048x16xf32, #tpu.memory_space<hbm>> -> memref<64x16xf32, #tpu.memory_space<hbm>>
      tpu.enqueue_dma source(%dma_start3A_59 : memref<64x16xf32, #tpu.memory_space<hbm>>) target(%arg12 : memref<64x16xf32, #tpu.memory_space<vmem>>) target_semaphore(%run_scoped3A : memref<!tpu.dma_semaphore, #tpu.memory_space<semaphore_mem>>)
      %dma_wait3A_60 = arith.constant 0 : i32
      %dma_wait3A_61 = tpu.memref_slice %arg7[%mul3A_2, %dma_wait3A_60] : memref<2048x16xf32, #tpu.memory_space<hbm>> -> memref<64x16xf32, #tpu.memory_space<hbm>>
      %dma_wait3A_62 = arith.constant 0 : i32
      %dma_wait3A_63 = tpu.memref_slice %arg7[%mul3A_2, %dma_wait3A_62] : memref<2048x16xf32, #tpu.memory_space<hbm>> -> memref<64x16xf32, #tpu.memory_space<hbm>>
      tpu.wait_dma2 semaphore(%run_scoped3A : memref<!tpu.dma_semaphore, #tpu.memory_space<semaphore_mem>>) src(%dma_wait3A_63 : memref<64x16xf32, #tpu.memory_space<hbm>>) dst(%arg12 : memref<64x16xf32, #tpu.memory_space<vmem>>)
      tpu.yield
    }) : () -> ()
    %add3A_3 = arith.constant 0 : i32
    %add3A_4 = arith.addi %mul3A_2, %add3A_3 : i32
    %dma_start3A = arith.constant 0 : i32
    %dma_start3A_5 = tpu.memref_slice %arg9[%dma_start3A] : memref<64xi32, #tpu.memory_space<vmem>> -> memref<32xi32, #tpu.memory_space<vmem>>
    %dma_start3A_6 = arith.constant 0 : i32
    %dma_start3A_7 = arith.constant 0 : i32
    %dma_start3A_8 = tpu.memref_slice %arg2[%dma_start3A_6, %dma_start3A_7] : memref<4096x1024xf32, #tpu.memory_space<hbm>> -> memref<4096x1024xf32, #tpu.memory_space<hbm>>
    tpu.enqueue_indirect_dma source(%dma_start3A_8 : memref<4096x1024xf32, #tpu.memory_space<hbm>>) target(%arg13 : memref<32x1024xf32, #tpu.memory_space<vmem>>) offsets(%dma_start3A_5 : memref<32xi32, #tpu.memory_space<vmem>>) semaphore(%arg16 : memref<!tpu.dma_semaphore, #tpu.memory_space<semaphore_mem>>)
    %dma_start3A_9 = arith.constant 0 : i32
    %dma_start3A_10 = tpu.memref_slice %arg10[%dma_start3A_9] : memref<64xi32, #tpu.memory_space<vmem>> -> memref<32xi32, #tpu.memory_space<vmem>>
    %dma_start3A_11 = arith.constant 0 : i32
    %dma_start3A_12 = arith.constant 0 : i32
    %dma_start3A_13 = tpu.memref_slice %arg2[%dma_start3A_11, %dma_start3A_12] : memref<4096x1024xf32, #tpu.memory_space<hbm>> -> memref<4096x1024xf32, #tpu.memory_space<hbm>>
    tpu.enqueue_indirect_dma source(%dma_start3A_13 : memref<4096x1024xf32, #tpu.memory_space<hbm>>) target(%arg14 : memref<32x1024xf32, #tpu.memory_space<vmem>>) offsets(%dma_start3A_10 : memref<32xi32, #tpu.memory_space<vmem>>) semaphore(%arg17 : memref<!tpu.dma_semaphore, #tpu.memory_space<semaphore_mem>>)
    "tpu.region"() ({
      %run_scoped3A = tpu.sem_alloc : memref<!tpu.dma_semaphore, #tpu.memory_space<semaphore_mem>>
      %dma_start3A_56 = arith.constant 0 : i32
      %dma_start3A_57 = tpu.memref_slice %arg3[%add3A_4, %dma_start3A_56] : memref<2048x1024xf32, #tpu.memory_space<hbm>> -> memref<32x1024xf32, #tpu.memory_space<hbm>>
      %dma_start3A_58 = arith.constant 0 : i32
      %dma_start3A_59 = tpu.memref_slice %arg3[%add3A_4, %dma_start3A_58] : memref<2048x1024xf32, #tpu.memory_space<hbm>> -> memref<32x1024xf32, #tpu.memory_space<hbm>>
      tpu.enqueue_dma source(%dma_start3A_59 : memref<32x1024xf32, #tpu.memory_space<hbm>>) target(%arg15 : memref<32x1024xf32, #tpu.memory_space<vmem>>) target_semaphore(%run_scoped3A : memref<!tpu.dma_semaphore, #tpu.memory_space<semaphore_mem>>)
      %dma_wait3A_60 = arith.constant 0 : i32
      %dma_wait3A_61 = tpu.memref_slice %arg3[%add3A_4, %dma_wait3A_60] : memref<2048x1024xf32, #tpu.memory_space<hbm>> -> memref<32x1024xf32, #tpu.memory_space<hbm>>
      %dma_wait3A_62 = arith.constant 0 : i32
      %dma_wait3A_63 = tpu.memref_slice %arg3[%add3A_4, %dma_wait3A_62] : memref<2048x1024xf32, #tpu.memory_space<hbm>> -> memref<32x1024xf32, #tpu.memory_space<hbm>>
      tpu.wait_dma2 semaphore(%run_scoped3A : memref<!tpu.dma_semaphore, #tpu.memory_space<semaphore_mem>>) src(%dma_wait3A_63 : memref<32x1024xf32, #tpu.memory_space<hbm>>) dst(%arg15 : memref<32x1024xf32, #tpu.memory_space<vmem>>)
      tpu.yield
    }) : () -> ()
    %dma_wait3A = arith.constant 0 : i32
    %dma_wait3A_14 = tpu.memref_slice %arg9[%dma_wait3A] : memref<64xi32, #tpu.memory_space<vmem>> -> memref<32xi32, #tpu.memory_space<vmem>>
    %dma_wait3A_15 = arith.constant 0 : i32
    %dma_wait3A_16 = arith.constant 0 : i32
    %dma_wait3A_17 = tpu.memref_slice %arg2[%dma_wait3A_15, %dma_wait3A_16] : memref<4096x1024xf32, #tpu.memory_space<hbm>> -> memref<4096x1024xf32, #tpu.memory_space<hbm>>
    tpu.wait_indirect_dma semaphore(%arg16 : memref<!tpu.dma_semaphore, #tpu.memory_space<semaphore_mem>>) src(%dma_wait3A_17 : memref<4096x1024xf32, #tpu.memory_space<hbm>>) dst(%arg13 : memref<32x1024xf32, #tpu.memory_space<vmem>>)
    %dma_wait3A_18 = arith.constant 0 : i32
    %dma_wait3A_19 = tpu.memref_slice %arg10[%dma_wait3A_18] : memref<64xi32, #tpu.memory_space<vmem>> -> memref<32xi32, #tpu.memory_space<vmem>>
    %dma_wait3A_20 = arith.constant 0 : i32
    %dma_wait3A_21 = arith.constant 0 : i32
    %dma_wait3A_22 = tpu.memref_slice %arg2[%dma_wait3A_20, %dma_wait3A_21] : memref<4096x1024xf32, #tpu.memory_space<hbm>> -> memref<4096x1024xf32, #tpu.memory_space<hbm>>
    tpu.wait_indirect_dma semaphore(%arg17 : memref<!tpu.dma_semaphore, #tpu.memory_space<semaphore_mem>>) src(%dma_wait3A_22 : memref<4096x1024xf32, #tpu.memory_space<hbm>>) dst(%arg14 : memref<32x1024xf32, #tpu.memory_space<vmem>>)
    %scan3A = arith.constant 0 : i32
    %scan3A_23 = arith.constant 0 : i32
    %scan3A_24 = arith.constant 32 : i32
    %scan3A_25 = arith.addi %scan3A_23, %scan3A_24 : i32
    %scan3A_26 = arith.constant 1 : i32
    scf.for %scan3A_56 = %scan3A_23 to %scan3A_25 step %scan3A_26  : i32 {
      %add3A_57 = arith.constant 0 : i32
      %add3A_58 = arith.addi %add3A_57, %scan3A_56 : i32
      %get3A = arith.index_cast %add3A_58 : i32 to index
      %get3A_59 = arith.constant 0 : index
      %get3A_60 = tpu.vector_load %arg11[%get3A, %get3A_59] {strides = array<i32>} : memref<64x16xf32, #tpu.memory_space<vmem>>, vector<1x16xf32>,
      %get3A_61 = vector.shape_cast %get3A_60 : vector<1x16xf32> to vector<16xf32>
      %add3A_62 = arith.constant 0 : i32
      %add3A_63 = arith.addi %add3A_62, %scan3A_56 : i32
      %get3A_64 = arith.index_cast %add3A_63 : i32 to index
      %get3A_65 = arith.constant 0 : index
      %get3A_66 = tpu.vector_load %arg12[%get3A_64, %get3A_65] {strides = array<i32>} : memref<64x16xf32, #tpu.memory_space<vmem>>, vector<1x16xf32>,
      %get3A_67 = vector.shape_cast %get3A_66 : vector<1x16xf32> to vector<16xf32>
      %scan3A_68 = arith.constant 0 : i32
      %scan3A_69 = arith.constant 0 : i32
      %scan3A_70 = arith.constant 64 : i32
      %scan3A_71 = arith.addi %scan3A_69, %scan3A_70 : i32
      %scan3A_72 = arith.constant 1 : i32
      scf.for %scan3A_74 = %scan3A_69 to %scan3A_71 step %scan3A_72  : i32 {
        %mul3A_75 = arith.constant 16 : i32
        %mul3A_76 = arith.muli %scan3A_74, %mul3A_75 : i32
        %get3A_77 = arith.index_cast %scan3A_56 : i32 to index
        %get3A_78 = arith.index_cast %mul3A_76 : i32 to index
        %get3A_79 = tpu.vector_load %arg15[%get3A_77, %get3A_78] {strides = array<i32>} : memref<32x1024xf32, #tpu.memory_space<vmem>>, vector<1x16xf32>,
        %get3A_80 = vector.shape_cast %get3A_79 : vector<1x16xf32> to vector<16xf32>
        %get3A_81 = arith.index_cast %scan3A_56 : i32 to index
        %get3A_82 = arith.index_cast %mul3A_76 : i32 to index
        %get3A_83 = tpu.vector_load %arg13[%get3A_81, %get3A_82] {strides = array<i32>} : memref<32x1024xf32, #tpu.memory_space<vmem>>, vector<1x16xf32>,
        %get3A_84 = vector.shape_cast %get3A_83 : vector<1x16xf32> to vector<16xf32>
        %mul3A_85 = arith.mulf %get3A_61, %get3A_84 : vector<16xf32>
        %add3A_86 = arith.addf %get3A_80, %mul3A_85 : vector<16xf32>
        %get3A_87 = arith.index_cast %scan3A_56 : i32 to index
        %get3A_88 = arith.index_cast %mul3A_76 : i32 to index
        %get3A_89 = tpu.vector_load %arg14[%get3A_87, %get3A_88] {strides = array<i32>} : memref<32x1024xf32, #tpu.memory_space<vmem>>, vector<1x16xf32>,
        %get3A_90 = vector.shape_cast %get3A_89 : vector<1x16xf32> to vector<16xf32>
        %mul3A_91 = arith.mulf %get3A_67, %get3A_90 : vector<16xf32>
        %add3A_92 = arith.addf %add3A_86, %mul3A_91 : vector<16xf32>
        %swap3A = arith.index_cast %scan3A_56 : i32 to index
        %swap3A_93 = arith.index_cast %mul3A_76 : i32 to index
        %swap3A_94 = tpu.vector_load %arg15[%swap3A, %swap3A_93] {strides = array<i32>} : memref<32x1024xf32, #tpu.memory_space<vmem>>, vector<1x16xf32>,
        %swap3A_95 = vector.shape_cast %swap3A_94 : vector<1x16xf32> to vector<16xf32>
        %swap3A_96 = vector.shape_cast %add3A_92 : vector<16xf32> to vector<1x16xf32>
        tpu.vector_store %arg15[%swap3A, %swap3A_93], %swap3A_96 {strides = array<i32>} : memref<32x1024xf32, #tpu.memory_space<vmem>>, vector<1x16xf32>,
      }
      %scan3A_73 = arith.constant 64 : i32
    }
    %scan3A_27 = arith.constant 32 : i32
    "tpu.region"() ({
      %run_scoped3A = tpu.sem_alloc : memref<!tpu.dma_semaphore, #tpu.memory_space<semaphore_mem>>
      %dma_start3A_56 = arith.constant 0 : i32
      %dma_start3A_57 = tpu.memref_slice %arg8[%add3A_4, %dma_start3A_56] : memref<2048x1024xf32, #tpu.memory_space<hbm>> -> memref<32x1024xf32, #tpu.memory_space<hbm>>
      %dma_start3A_58 = arith.constant 0 : i32
      %dma_start3A_59 = tpu.memref_slice %arg8[%add3A_4, %dma_start3A_58] : memref<2048x1024xf32, #tpu.memory_space<hbm>> -> memref<32x1024xf32, #tpu.memory_space<hbm>>
      tpu.enqueue_dma source(%arg15 : memref<32x1024xf32, #tpu.memory_space<vmem>>) target(%dma_start3A_59 : memref<32x1024xf32, #tpu.memory_space<hbm>>) target_semaphore(%run_scoped3A : memref<!tpu.dma_semaphore, #tpu.memory_space<semaphore_mem>>)
      %dma_wait3A_60 = arith.constant 0 : i32
      %dma_wait3A_61 = tpu.memref_slice %arg8[%add3A_4, %dma_wait3A_60] : memref<2048x1024xf32, #tpu.memory_space<hbm>> -> memref<32x1024xf32, #tpu.memory_space<hbm>>
      %dma_wait3A_62 = arith.constant 0 : i32
      %dma_wait3A_63 = tpu.memref_slice %arg8[%add3A_4, %dma_wait3A_62] : memref<2048x1024xf32, #tpu.memory_space<hbm>> -> memref<32x1024xf32, #tpu.memory_space<hbm>>
      tpu.wait_dma2 semaphore(%run_scoped3A : memref<!tpu.dma_semaphore, #tpu.memory_space<semaphore_mem>>) src(%arg15 : memref<32x1024xf32, #tpu.memory_space<vmem>>) dst(%dma_wait3A_63 : memref<32x1024xf32, #tpu.memory_space<hbm>>)
      tpu.yield
    }) : () -> ()
    %add3A_28 = arith.constant 32 : i32
    %add3A_29 = arith.addi %mul3A_2, %add3A_28 : i32
    %dma_start3A_30 = arith.constant 32 : i32
    %dma_start3A_31 = tpu.memref_slice %arg9[%dma_start3A_30] : memref<64xi32, #tpu.memory_space<vmem>> -> memref<32xi32, #tpu.memory_space<vmem>>
    %dma_start3A_32 = arith.constant 0 : i32
    %dma_start3A_33 = arith.constant 0 : i32
    %dma_start3A_34 = tpu.memref_slice %arg2[%dma_start3A_32, %dma_start3A_33] : memref<4096x1024xf32, #tpu.memory_space<hbm>> -> memref<4096x1024xf32, #tpu.memory_space<hbm>>
    tpu.enqueue_indirect_dma source(%dma_start3A_34 : memref<4096x1024xf32, #tpu.memory_space<hbm>>) target(%arg13 : memref<32x1024xf32, #tpu.memory_space<vmem>>) offsets(%dma_start3A_31 : memref<32xi32, #tpu.memory_space<vmem>>) semaphore(%arg16 : memref<!tpu.dma_semaphore, #tpu.memory_space<semaphore_mem>>)
    %dma_start3A_35 = arith.constant 32 : i32
    %dma_start3A_36 = tpu.memref_slice %arg10[%dma_start3A_35] : memref<64xi32, #tpu.memory_space<vmem>> -> memref<32xi32, #tpu.memory_space<vmem>>
    %dma_start3A_37 = arith.constant 0 : i32
    %dma_start3A_38 = arith.constant 0 : i32
    %dma_start3A_39 = tpu.memref_slice %arg2[%dma_start3A_37, %dma_start3A_38] : memref<4096x1024xf32, #tpu.memory_space<hbm>> -> memref<4096x1024xf32, #tpu.memory_space<hbm>>
    tpu.enqueue_indirect_dma source(%dma_start3A_39 : memref<4096x1024xf32, #tpu.memory_space<hbm>>) target(%arg14 : memref<32x1024xf32, #tpu.memory_space<vmem>>) offsets(%dma_start3A_36 : memref<32xi32, #tpu.memory_space<vmem>>) semaphore(%arg17 : memref<!tpu.dma_semaphore, #tpu.memory_space<semaphore_mem>>)
    "tpu.region"() ({
      %run_scoped3A = tpu.sem_alloc : memref<!tpu.dma_semaphore, #tpu.memory_space<semaphore_mem>>
      %dma_start3A_56 = arith.constant 0 : i32
      %dma_start3A_57 = tpu.memref_slice %arg3[%add3A_29, %dma_start3A_56] : memref<2048x1024xf32, #tpu.memory_space<hbm>> -> memref<32x1024xf32, #tpu.memory_space<hbm>>
      %dma_start3A_58 = arith.constant 0 : i32
      %dma_start3A_59 = tpu.memref_slice %arg3[%add3A_29, %dma_start3A_58] : memref<2048x1024xf32, #tpu.memory_space<hbm>> -> memref<32x1024xf32, #tpu.memory_space<hbm>>
      tpu.enqueue_dma source(%dma_start3A_59 : memref<32x1024xf32, #tpu.memory_space<hbm>>) target(%arg15 : memref<32x1024xf32, #tpu.memory_space<vmem>>) target_semaphore(%run_scoped3A : memref<!tpu.dma_semaphore, #tpu.memory_space<semaphore_mem>>)
      %dma_wait3A_60 = arith.constant 0 : i32
      %dma_wait3A_61 = tpu.memref_slice %arg3[%add3A_29, %dma_wait3A_60] : memref<2048x1024xf32, #tpu.memory_space<hbm>> -> memref<32x1024xf32, #tpu.memory_space<hbm>>
      %dma_wait3A_62 = arith.constant 0 : i32
      %dma_wait3A_63 = tpu.memref_slice %arg3[%add3A_29, %dma_wait3A_62] : memref<2048x1024xf32, #tpu.memory_space<hbm>> -> memref<32x1024xf32, #tpu.memory_space<hbm>>
      tpu.wait_dma2 semaphore(%run_scoped3A : memref<!tpu.dma_semaphore, #tpu.memory_space<semaphore_mem>>) src(%dma_wait3A_63 : memref<32x1024xf32, #tpu.memory_space<hbm>>) dst(%arg15 : memref<32x1024xf32, #tpu.memory_space<vmem>>)
      tpu.yield
    }) : () -> ()
    %dma_wait3A_40 = arith.constant 32 : i32
    %dma_wait3A_41 = tpu.memref_slice %arg9[%dma_wait3A_40] : memref<64xi32, #tpu.memory_space<vmem>> -> memref<32xi32, #tpu.memory_space<vmem>>
    %dma_wait3A_42 = arith.constant 0 : i32
    %dma_wait3A_43 = arith.constant 0 : i32
    %dma_wait3A_44 = tpu.memref_slice %arg2[%dma_wait3A_42, %dma_wait3A_43] : memref<4096x1024xf32, #tpu.memory_space<hbm>> -> memref<4096x1024xf32, #tpu.memory_space<hbm>>
    tpu.wait_indirect_dma semaphore(%arg16 : memref<!tpu.dma_semaphore, #tpu.memory_space<semaphore_mem>>) src(%dma_wait3A_44 : memref<4096x1024xf32, #tpu.memory_space<hbm>>) dst(%arg13 : memref<32x1024xf32, #tpu.memory_space<vmem>>)
    %dma_wait3A_45 = arith.constant 32 : i32
    %dma_wait3A_46 = tpu.memref_slice %arg10[%dma_wait3A_45] : memref<64xi32, #tpu.memory_space<vmem>> -> memref<32xi32, #tpu.memory_space<vmem>>
    %dma_wait3A_47 = arith.constant 0 : i32
    %dma_wait3A_48 = arith.constant 0 : i32
    %dma_wait3A_49 = tpu.memref_slice %arg2[%dma_wait3A_47, %dma_wait3A_48] : memref<4096x1024xf32, #tpu.memory_space<hbm>> -> memref<4096x1024xf32, #tpu.memory_space<hbm>>
    tpu.wait_indirect_dma semaphore(%arg17 : memref<!tpu.dma_semaphore, #tpu.memory_space<semaphore_mem>>) src(%dma_wait3A_49 : memref<4096x1024xf32, #tpu.memory_space<hbm>>) dst(%arg14 : memref<32x1024xf32, #tpu.memory_space<vmem>>)
    %scan3A_50 = arith.constant 0 : i32
    %scan3A_51 = arith.constant 0 : i32
    %scan3A_52 = arith.constant 32 : i32
    %scan3A_53 = arith.addi %scan3A_51, %scan3A_52 : i32
    %scan3A_54 = arith.constant 1 : i32
    scf.for %scan3A_56 = %scan3A_51 to %scan3A_53 step %scan3A_54  : i32 {
      %add3A_57 = arith.constant 32 : i32
      %add3A_58 = arith.addi %add3A_57, %scan3A_56 : i32
      %get3A = arith.index_cast %add3A_58 : i32 to index
      %get3A_59 = arith.constant 0 : index
      %get3A_60 = tpu.vector_load %arg11[%get3A, %get3A_59] {strides = array<i32>} : memref<64x16xf32, #tpu.memory_space<vmem>>, vector<1x16xf32>,
      %get3A_61 = vector.shape_cast %get3A_60 : vector<1x16xf32> to vector<16xf32>
      %add3A_62 = arith.constant 32 : i32
      %add3A_63 = arith.addi %add3A_62, %scan3A_56 : i32
      %get3A_64 = arith.index_cast %add3A_63 : i32 to index
      %get3A_65 = arith.constant 0 : index
      %get3A_66 = tpu.vector_load %arg12[%get3A_64, %get3A_65] {strides = array<i32>} : memref<64x16xf32, #tpu.memory_space<vmem>>, vector<1x16xf32>,
      %get3A_67 = vector.shape_cast %get3A_66 : vector<1x16xf32> to vector<16xf32>
      %scan3A_68 = arith.constant 0 : i32
      %scan3A_69 = arith.constant 0 : i32
      %scan3A_70 = arith.constant 64 : i32
      %scan3A_71 = arith.addi %scan3A_69, %scan3A_70 : i32
      %scan3A_72 = arith.constant 1 : i32
      scf.for %scan3A_74 = %scan3A_69 to %scan3A_71 step %scan3A_72  : i32 {
        %mul3A_75 = arith.constant 16 : i32
        %mul3A_76 = arith.muli %scan3A_74, %mul3A_75 : i32
        %get3A_77 = arith.index_cast %scan3A_56 : i32 to index
        %get3A_78 = arith.index_cast %mul3A_76 : i32 to index
        %get3A_79 = tpu.vector_load %arg15[%get3A_77, %get3A_78] {strides = array<i32>} : memref<32x1024xf32, #tpu.memory_space<vmem>>, vector<1x16xf32>,
        %get3A_80 = vector.shape_cast %get3A_79 : vector<1x16xf32> to vector<16xf32>
        %get3A_81 = arith.index_cast %scan3A_56 : i32 to index
        %get3A_82 = arith.index_cast %mul3A_76 : i32 to index
        %get3A_83 = tpu.vector_load %arg13[%get3A_81, %get3A_82] {strides = array<i32>} : memref<32x1024xf32, #tpu.memory_space<vmem>>, vector<1x16xf32>,
        %get3A_84 = vector.shape_cast %get3A_83 : vector<1x16xf32> to vector<16xf32>
        %mul3A_85 = arith.mulf %get3A_61, %get3A_84 : vector<16xf32>
        %add3A_86 = arith.addf %get3A_80, %mul3A_85 : vector<16xf32>
        %get3A_87 = arith.index_cast %scan3A_56 : i32 to index
        %get3A_88 = arith.index_cast %mul3A_76 : i32 to index
        %get3A_89 = tpu.vector_load %arg14[%get3A_87, %get3A_88] {strides = array<i32>} : memref<32x1024xf32, #tpu.memory_space<vmem>>, vector<1x16xf32>,
        %get3A_90 = vector.shape_cast %get3A_89 : vector<1x16xf32> to vector<16xf32>
        %mul3A_91 = arith.mulf %get3A_67, %get3A_90 : vector<16xf32>
        %add3A_92 = arith.addf %add3A_86, %mul3A_91 : vector<16xf32>
        %swap3A = arith.index_cast %scan3A_56 : i32 to index
        %swap3A_93 = arith.index_cast %mul3A_76 : i32 to index
        %swap3A_94 = tpu.vector_load %arg15[%swap3A, %swap3A_93] {strides = array<i32>} : memref<32x1024xf32, #tpu.memory_space<vmem>>, vector<1x16xf32>,
        %swap3A_95 = vector.shape_cast %swap3A_94 : vector<1x16xf32> to vector<16xf32>
        %swap3A_96 = vector.shape_cast %add3A_92 : vector<16xf32> to vector<1x16xf32>
        tpu.vector_store %arg15[%swap3A, %swap3A_93], %swap3A_96 {strides = array<i32>} : memref<32x1024xf32, #tpu.memory_space<vmem>>, vector<1x16xf32>,
      }
      %scan3A_73 = arith.constant 64 : i32
    }
    %scan3A_55 = arith.constant 32 : i32
    "tpu.region"() ({
      %run_scoped3A = tpu.sem_alloc : memref<!tpu.dma_semaphore, #tpu.memory_space<semaphore_mem>>
      %dma_start3A_56 = arith.constant 0 : i32
      %dma_start3A_57 = tpu.memref_slice %arg8[%add3A_29, %dma_start3A_56] : memref<2048x1024xf32, #tpu.memory_space<hbm>> -> memref<32x1024xf32, #tpu.memory_space<hbm>>
      %dma_start3A_58 = arith.constant 0 : i32
      %dma_start3A_59 = tpu.memref_slice %arg8[%add3A_29, %dma_start3A_58] : memref<2048x1024xf32, #tpu.memory_space<hbm>> -> memref<32x1024xf32, #tpu.memory_space<hbm>>
      tpu.enqueue_dma source(%arg15 : memref<32x1024xf32, #tpu.memory_space<vmem>>) target(%dma_start3A_59 : memref<32x1024xf32, #tpu.memory_space<hbm>>) target_semaphore(%run_scoped3A : memref<!tpu.dma_semaphore, #tpu.memory_space<semaphore_mem>>)
      %dma_wait3A_60 = arith.constant 0 : i32
      %dma_wait3A_61 = tpu.memref_slice %arg8[%add3A_29, %dma_wait3A_60] : memref<2048x1024xf32, #tpu.memory_space<hbm>> -> memref<32x1024xf32, #tpu.memory_space<hbm>>
      %dma_wait3A_62 = arith.constant 0 : i32
      %dma_wait3A_63 = tpu.memref_slice %arg8[%add3A_29, %dma_wait3A_62] : memref<2048x1024xf32, #tpu.memory_space<hbm>> -> memref<32x1024xf32, #tpu.memory_space<hbm>>
      tpu.wait_dma2 semaphore(%run_scoped3A : memref<!tpu.dma_semaphore, #tpu.memory_space<semaphore_mem>>) src(%arg15 : memref<32x1024xf32, #tpu.memory_space<vmem>>) dst(%dma_wait3A_63 : memref<32x1024xf32, #tpu.memory_space<hbm>>)
      tpu.yield
    }) : () -> ()
    return
  }
}

#map = affine_map<(d0, d1) -> (0)>
#map1 = affine_map<(d0, d1) -> (0, 0)>
module attributes {stable_mosaic.version = 14 : i64} {
  func.func @_dispatch_sc(%arg0: i32, %arg1: i32, %arg2: memref<2048xi32, #tpu.memory_space<hbm>>, %arg3: memref<2048xi32, #tpu.memory_space<hbm>>, %arg4: memref<2304x1024xf32, #tpu.memory_space<hbm>>, %arg5: memref<4096x1024xf32, #tpu.memory_space<hbm>>, %arg6: memref<4104xi32, #tpu.memory_space<vmem>>, %arg7: memref<2048xi32, #tpu.memory_space<vmem>>, %arg8: memref<2048xi32, #tpu.memory_space<vmem>>, %arg9: memref<64x1024xf32, #tpu.memory_space<vmem>>, %arg10: memref<!tpu.dma_semaphore, #tpu.memory_space<semaphore_mem>>) attributes {dimension_semantics = [#tpu.dimension_semantics<core_parallel>, #tpu.dimension_semantics<subcore_parallel>], iteration_bounds = array<i64: 2, 16>, scalar_prefetch = 0 : i64, scratch_operands = 5 : i64, tpu.core_type = #tpu.core_type<sc_vector_subcore>, window_params = [{transform_indices = #map}, {transform_indices = #map}, {transform_indices = #map1}, {transform_indices = #map1}]} {
    %mul3A = arith.constant 2 : i32
    %mul3A_0 = arith.muli %arg1, %mul3A : i32
    %add3A = arith.addi %mul3A_0, %arg0 : i32
    "tpu.region"() ({
      %run_scoped3A = tpu.sem_alloc : memref<!tpu.dma_semaphore, #tpu.memory_space<semaphore_mem>>
      tpu.enqueue_dma source(%arg2 : memref<2048xi32, #tpu.memory_space<hbm>>) target(%arg7 : memref<2048xi32, #tpu.memory_space<vmem>>) target_semaphore(%run_scoped3A : memref<!tpu.dma_semaphore, #tpu.memory_space<semaphore_mem>>)
      tpu.wait_dma2 semaphore(%run_scoped3A : memref<!tpu.dma_semaphore, #tpu.memory_space<semaphore_mem>>) src(%arg2 : memref<2048xi32, #tpu.memory_space<hbm>>) dst(%arg7 : memref<2048xi32, #tpu.memory_space<vmem>>)
      tpu.yield
    }) : () -> ()
    "tpu.region"() ({
      %run_scoped3A = tpu.sem_alloc : memref<!tpu.dma_semaphore, #tpu.memory_space<semaphore_mem>>
      tpu.enqueue_dma source(%arg3 : memref<2048xi32, #tpu.memory_space<hbm>>) target(%arg8 : memref<2048xi32, #tpu.memory_space<vmem>>) target_semaphore(%run_scoped3A : memref<!tpu.dma_semaphore, #tpu.memory_space<semaphore_mem>>)
      tpu.wait_dma2 semaphore(%run_scoped3A : memref<!tpu.dma_semaphore, #tpu.memory_space<semaphore_mem>>) src(%arg3 : memref<2048xi32, #tpu.memory_space<hbm>>) dst(%arg8 : memref<2048xi32, #tpu.memory_space<vmem>>)
      tpu.yield
    }) : () -> ()
    %broadcast_in_dim3A = arith.constant 2048 : i32
    %broadcast_in_dim3A_1 = vector.broadcast %broadcast_in_dim3A : i32 to vector<16xi32>
    %scan3A = arith.constant 0 : i32
    %scan3A_2 = arith.constant 0 : i32
    %scan3A_3 = arith.constant 256 : i32
    %scan3A_4 = arith.addi %scan3A_2, %scan3A_3 : i32
    %scan3A_5 = arith.constant 1 : i32
    scf.for %scan3A_21 = %scan3A_2 to %scan3A_4 step %scan3A_5  : i32 {
      %mul3A_22 = arith.constant 16 : i32
      %mul3A_23 = arith.muli %scan3A_21, %mul3A_22 : i32
      %swap3A = arith.index_cast %mul3A_23 : i32 to index
      %swap3A_24 = tpu.vector_load %arg6[%swap3A] {strides = array<i32>} : memref<4104xi32, #tpu.memory_space<vmem>>, vector<16xi32>,
      tpu.vector_store %arg6[%swap3A], %broadcast_in_dim3A_1 {strides = array<i32>} : memref<4104xi32, #tpu.memory_space<vmem>>, vector<16xi32>,
    }
    %scan3A_6 = arith.constant 256 : i32
    %scan3A_7 = arith.constant 0 : i32
    %scan3A_8 = arith.constant 0 : i32
    %scan3A_9 = arith.constant 128 : i32
    %scan3A_10 = arith.addi %scan3A_8, %scan3A_9 : i32
    %scan3A_11 = arith.constant 1 : i32
    scf.for %scan3A_21 = %scan3A_8 to %scan3A_10 step %scan3A_11  : i32 {
      %iota3A = tpu.iota {dimensions = array<i32: 0>} : vector<16xi32>
      %mul3A_22 = arith.constant 16 : i32
      %mul3A_23 = arith.muli %scan3A_21, %mul3A_22 : i32
      %add3A_24 = vector.broadcast %mul3A_23 : i32 to vector<16xi32>
      %add3A_25 = arith.addi %iota3A, %add3A_24 : vector<16xi32>
      %mul3A_26 = arith.constant 16 : i32
      %mul3A_27 = arith.muli %scan3A_21, %mul3A_26 : i32
      %get3A = arith.index_cast %mul3A_27 : i32 to index
      %get3A_28 = tpu.vector_load %arg7[%get3A] {strides = array<i32>} : memref<2048xi32, #tpu.memory_space<vmem>>, vector<16xi32>,
      tpu.vector_store_idx %arg6[%get3A_28], %add3A_25 : memref<4104xi32, #tpu.memory_space<vmem>>[vector<16xi32>], vector<16xi32>,
      %mul3A_29 = arith.constant 16 : i32
      %mul3A_30 = arith.muli %scan3A_21, %mul3A_29 : i32
      %get3A_31 = arith.index_cast %mul3A_30 : i32 to index
      %get3A_32 = tpu.vector_load %arg8[%get3A_31] {strides = array<i32>} : memref<2048xi32, #tpu.memory_space<vmem>>, vector<16xi32>,
      tpu.vector_store_idx %arg6[%get3A_32], %add3A_25 : memref<4104xi32, #tpu.memory_space<vmem>>[vector<16xi32>], vector<16xi32>,
    }
    %scan3A_12 = arith.constant 128 : i32
    %mul3A_13 = arith.constant 128 : i32
    %mul3A_14 = arith.muli %add3A, %mul3A_13 : i32
    %scan3A_15 = arith.constant 0 : i32
    %scan3A_16 = arith.constant 0 : i32
    %scan3A_17 = arith.constant 2 : i32
    %scan3A_18 = arith.addi %scan3A_16, %scan3A_17 : i32
    %scan3A_19 = arith.constant 1 : i32
    scf.for %scan3A_21 = %scan3A_16 to %scan3A_18 step %scan3A_19  : i32 {
      %mul3A_22 = arith.constant 64 : i32
      %mul3A_23 = arith.muli %scan3A_21, %mul3A_22 : i32
      %add3A_24 = arith.addi %mul3A_14, %mul3A_23 : i32
      %dma_start3A = tpu.memref_slice %arg6[%add3A_24] : memref<4104xi32, #tpu.memory_space<vmem>> -> memref<64xi32, #tpu.memory_space<vmem>>
      %dma_start3A_25 = arith.constant 0 : i32
      %dma_start3A_26 = arith.constant 0 : i32
      %dma_start3A_27 = tpu.memref_slice %arg4[%dma_start3A_25, %dma_start3A_26] : memref<2304x1024xf32, #tpu.memory_space<hbm>> -> memref<2304x1024xf32, #tpu.memory_space<hbm>>
      tpu.enqueue_indirect_dma source(%dma_start3A_27 : memref<2304x1024xf32, #tpu.memory_space<hbm>>) target(%arg9 : memref<64x1024xf32, #tpu.memory_space<vmem>>) offsets(%dma_start3A : memref<64xi32, #tpu.memory_space<vmem>>) semaphore(%arg10 : memref<!tpu.dma_semaphore, #tpu.memory_space<semaphore_mem>>)
      %dma_wait3A = tpu.memref_slice %arg6[%add3A_24] : memref<4104xi32, #tpu.memory_space<vmem>> -> memref<64xi32, #tpu.memory_space<vmem>>
      %dma_wait3A_28 = arith.constant 0 : i32
      %dma_wait3A_29 = arith.constant 0 : i32
      %dma_wait3A_30 = tpu.memref_slice %arg4[%dma_wait3A_28, %dma_wait3A_29] : memref<2304x1024xf32, #tpu.memory_space<hbm>> -> memref<2304x1024xf32, #tpu.memory_space<hbm>>
      tpu.wait_indirect_dma semaphore(%arg10 : memref<!tpu.dma_semaphore, #tpu.memory_space<semaphore_mem>>) src(%dma_wait3A_30 : memref<2304x1024xf32, #tpu.memory_space<hbm>>) dst(%arg9 : memref<64x1024xf32, #tpu.memory_space<vmem>>)
      "tpu.region"() ({
        %run_scoped3A = tpu.sem_alloc : memref<!tpu.dma_semaphore, #tpu.memory_space<semaphore_mem>>
        %dma_start3A_31 = arith.constant 0 : i32
        %dma_start3A_32 = tpu.memref_slice %arg5[%add3A_24, %dma_start3A_31] : memref<4096x1024xf32, #tpu.memory_space<hbm>> -> memref<64x1024xf32, #tpu.memory_space<hbm>>
        %dma_start3A_33 = arith.constant 0 : i32
        %dma_start3A_34 = tpu.memref_slice %arg5[%add3A_24, %dma_start3A_33] : memref<4096x1024xf32, #tpu.memory_space<hbm>> -> memref<64x1024xf32, #tpu.memory_space<hbm>>
        tpu.enqueue_dma source(%arg9 : memref<64x1024xf32, #tpu.memory_space<vmem>>) target(%dma_start3A_34 : memref<64x1024xf32, #tpu.memory_space<hbm>>) target_semaphore(%run_scoped3A : memref<!tpu.dma_semaphore, #tpu.memory_space<semaphore_mem>>)
        %dma_wait3A_35 = arith.constant 0 : i32
        %dma_wait3A_36 = tpu.memref_slice %arg5[%add3A_24, %dma_wait3A_35] : memref<4096x1024xf32, #tpu.memory_space<hbm>> -> memref<64x1024xf32, #tpu.memory_space<hbm>>
        %dma_wait3A_37 = arith.constant 0 : i32
        %dma_wait3A_38 = tpu.memref_slice %arg5[%add3A_24, %dma_wait3A_37] : memref<4096x1024xf32, #tpu.memory_space<hbm>> -> memref<64x1024xf32, #tpu.memory_space<hbm>>
        tpu.wait_dma2 semaphore(%run_scoped3A : memref<!tpu.dma_semaphore, #tpu.memory_space<semaphore_mem>>) src(%arg9 : memref<64x1024xf32, #tpu.memory_space<vmem>>) dst(%dma_wait3A_38 : memref<64x1024xf32, #tpu.memory_space<hbm>>)
        tpu.yield
      }) : () -> ()
    }
    %scan3A_20 = arith.constant 2 : i32
    return
  }
}

module attributes {stable_mosaic.version = 14 : i64} {
  func.func @_qkv_kern(%arg0: i32, %arg1: memref<256x1024xf32, #tpu.memory_space<vmem>>, %arg2: memref<1024x1024xf32, #tpu.memory_space<vmem>>, %arg3: memref<1024x1024xf32, #tpu.memory_space<vmem>>, %arg4: memref<1024x1024xf32, #tpu.memory_space<vmem>>, %arg5: memref<1x1024xf32, #tpu.memory_space<vmem>>, %arg6: memref<1x1024xf32, #tpu.memory_space<vmem>>, %arg7: memref<256x3072xf32, #tpu.memory_space<vmem>>) attributes {dimension_semantics = [#tpu.dimension_semantics<arbitrary>], iteration_bounds = array<i64: 8>, scalar_prefetch = 0 : i64, scratch_operands = 0 : i64, tpu.core_type = #tpu.core_type<tc>, window_params = [{transform_indices = @transform_0, window_bounds = array<i64: 256, 1024>}, {pipeline_mode = #tpu.pipeline_mode<synchronous>, transform_indices = @transform_1, window_bounds = array<i64: 1024, 1024>}, {pipeline_mode = #tpu.pipeline_mode<synchronous>, transform_indices = @transform_2, window_bounds = array<i64: 1024, 1024>}, {pipeline_mode = #tpu.pipeline_mode<synchronous>, transform_indices = @transform_3, window_bounds = array<i64: 1024, 1024>}, {pipeline_mode = #tpu.pipeline_mode<synchronous>, transform_indices = @transform_4, window_bounds = array<i64: 1, 1024>}, {pipeline_mode = #tpu.pipeline_mode<synchronous>, transform_indices = @transform_5, window_bounds = array<i64: 1, 1024>}, {transform_indices = @transform_6, window_bounds = array<i64: 256, 3072>}]} {
    %get3A = arith.constant 0 : index
    %get3A_0 = arith.constant 0 : index
    %get3A_1 = vector.load %arg1[%get3A, %get3A_0] : memref<256x1024xf32, #tpu.memory_space<vmem>>, vector<256x1024xf32>
    %get3A_2 = arith.constant 0 : index
    %get3A_3 = arith.constant 0 : index
    %get3A_4 = vector.load %arg5[%get3A_2, %get3A_3] : memref<1x1024xf32, #tpu.memory_space<vmem>>, vector<1x1024xf32>
    %get3A_5 = arith.constant 0 : index
    %get3A_6 = arith.constant 0 : index
    %get3A_7 = vector.load %arg6[%get3A_5, %get3A_6] : memref<1x1024xf32, #tpu.memory_space<vmem>>, vector<1x1024xf32>
    %reduce_sum3A = arith.constant dense<0.000000e+00> : vector<256xf32>
    %reduce_sum3A_8 = vector.multi_reduction <add>, %get3A_1, %reduce_sum3A [1] : vector<256x1024xf32> to vector<256xf32>
    %broadcast_in_dim3A = vector.shape_cast %reduce_sum3A_8 : vector<256xf32> to vector<256x1xf32>
    %div3A = arith.constant 1.024000e+03 : f32
    %div3A_9 = vector.broadcast %div3A : f32 to vector<256x1xf32>
    %div3A_10 = arith.divf %broadcast_in_dim3A, %div3A_9 : vector<256x1xf32>
    %sub3A = vector.broadcast %div3A_10 : vector<256x1xf32> to vector<256x1024xf32>
    %sub3A_11 = arith.subf %get3A_1, %sub3A : vector<256x1024xf32>
    %integer_pow3A = arith.mulf %sub3A_11, %sub3A_11 : vector<256x1024xf32>
    %reduce_sum3A_12 = arith.constant dense<0.000000e+00> : vector<256xf32>
    %reduce_sum3A_13 = vector.multi_reduction <add>, %integer_pow3A, %reduce_sum3A_12 [1] : vector<256x1024xf32> to vector<256xf32>
    %broadcast_in_dim3A_14 = vector.shape_cast %reduce_sum3A_13 : vector<256xf32> to vector<256x1xf32>
    %div3A_15 = arith.constant 1.024000e+03 : f32
    %div3A_16 = vector.broadcast %div3A_15 : f32 to vector<256x1xf32>
    %div3A_17 = arith.divf %broadcast_in_dim3A_14, %div3A_16 : vector<256x1xf32>
    %sub3A_18 = vector.broadcast %div3A_10 : vector<256x1xf32> to vector<256x1024xf32>
    %sub3A_19 = arith.subf %get3A_1, %sub3A_18 : vector<256x1024xf32>
    %add3A = arith.constant 9.99999974E-6 : f32
    %add3A_20 = vector.broadcast %add3A : f32 to vector<256x1xf32>
    %add3A_21 = arith.addf %div3A_17, %add3A_20 : vector<256x1xf32>
    %rsqrt3A = math.rsqrt %add3A_21 : vector<256x1xf32>
    %mul3A = vector.broadcast %rsqrt3A : vector<256x1xf32> to vector<256x1024xf32>
    %mul3A_22 = arith.mulf %sub3A_19, %mul3A : vector<256x1024xf32>
    %mul3A_23 = vector.broadcast %get3A_4 : vector<1x1024xf32> to vector<256x1024xf32>
    %mul3A_24 = arith.mulf %mul3A_22, %mul3A_23 : vector<256x1024xf32>
    %add3A_25 = vector.broadcast %get3A_7 : vector<1x1024xf32> to vector<256x1024xf32>
    %add3A_26 = arith.addf %mul3A_24, %add3A_25 : vector<256x1024xf32>
    %get3A_27 = arith.constant 0 : index
    %get3A_28 = arith.constant 0 : index
    %get3A_29 = vector.load %arg2[%get3A_27, %get3A_28] : memref<1024x1024xf32, #tpu.memory_space<vmem>>, vector<1024x1024xf32>
    %dot_general3A = arith.constant dense<0.000000e+00> : vector<256x1024xf32>
    %dot_general3A_30 = tpu.matmul %add3A_26, %get3A_29, %dot_general3A {dimension_numbers = #tpu.dot_dimension_numbers<[1], [0], [0], [1], [0, 0, 1, 1], [], []>, transpose_lhs_hint = false} : vector<256x1024xf32>, vector<1024x1024xf32>, vector<256x1024xf32> -> vector<256x1024xf32>
    %swap3A = arith.constant 0 : index
    %swap3A_31 = arith.constant 0 : index
    %swap3A_32 = vector.load %arg7[%swap3A, %swap3A_31] : memref<256x3072xf32, #tpu.memory_space<vmem>>, vector<256x1024xf32>
    tpu.vector_store %arg7[%swap3A, %swap3A_31], %dot_general3A_30 {strides = array<i32>} : memref<256x3072xf32, #tpu.memory_space<vmem>>, vector<256x1024xf32>,
    %get3A_33 = arith.constant 0 : index
    %get3A_34 = arith.constant 0 : index
    %get3A_35 = vector.load %arg3[%get3A_33, %get3A_34] : memref<1024x1024xf32, #tpu.memory_space<vmem>>, vector<1024x1024xf32>
    %dot_general3A_36 = arith.constant dense<0.000000e+00> : vector<256x1024xf32>
    %dot_general3A_37 = tpu.matmul %add3A_26, %get3A_35, %dot_general3A_36 {dimension_numbers = #tpu.dot_dimension_numbers<[1], [0], [0], [1], [0, 0, 1, 1], [], []>, transpose_lhs_hint = false} : vector<256x1024xf32>, vector<1024x1024xf32>, vector<256x1024xf32> -> vector<256x1024xf32>
    %swap3A_38 = arith.constant 0 : index
    %swap3A_39 = arith.constant 1024 : index
    %swap3A_40 = vector.load %arg7[%swap3A_38, %swap3A_39] : memref<256x3072xf32, #tpu.memory_space<vmem>>, vector<256x1024xf32>
    tpu.vector_store %arg7[%swap3A_38, %swap3A_39], %dot_general3A_37 {strides = array<i32>} : memref<256x3072xf32, #tpu.memory_space<vmem>>, vector<256x1024xf32>,
    %get3A_41 = arith.constant 0 : index
    %get3A_42 = arith.constant 0 : index
    %get3A_43 = vector.load %arg4[%get3A_41, %get3A_42] : memref<1024x1024xf32, #tpu.memory_space<vmem>>, vector<1024x1024xf32>
    %dot_general3A_44 = arith.constant dense<0.000000e+00> : vector<256x1024xf32>
    %dot_general3A_45 = tpu.matmul %add3A_26, %get3A_43, %dot_general3A_44 {dimension_numbers = #tpu.dot_dimension_numbers<[1], [0], [0], [1], [0, 0, 1, 1], [], []>, transpose_lhs_hint = false} : vector<256x1024xf32>, vector<1024x1024xf32>, vector<256x1024xf32> -> vector<256x1024xf32>
    %swap3A_46 = arith.constant 0 : index
    %swap3A_47 = arith.constant 2048 : index
    %swap3A_48 = vector.load %arg7[%swap3A_46, %swap3A_47] : memref<256x3072xf32, #tpu.memory_space<vmem>>, vector<256x1024xf32>
    tpu.vector_store %arg7[%swap3A_46, %swap3A_47], %dot_general3A_45 {strides = array<i32>} : memref<256x3072xf32, #tpu.memory_space<vmem>>, vector<256x1024xf32>,
    return
  }
  func.func @transform_0(%arg0: i32) -> (i32, i32) {
    %c0_i32 = arith.constant 0 : i32
    %c0_i32_0 = arith.constant 0 : i32
    return %arg0, %c0_i32 : i32, i32
  }
  func.func @transform_1(%arg0: i32) -> (i32, i32) {
    %c0_i32 = arith.constant 0 : i32
    %c0_i32_0 = arith.constant 0 : i32
    %c0_i32_1 = arith.constant 0 : i32
    return %c0_i32, %c0_i32_0 : i32, i32
  }
  func.func @transform_2(%arg0: i32) -> (i32, i32) {
    %c0_i32 = arith.constant 0 : i32
    %c0_i32_0 = arith.constant 0 : i32
    %c0_i32_1 = arith.constant 0 : i32
    return %c0_i32, %c0_i32_0 : i32, i32
  }
  func.func @transform_3(%arg0: i32) -> (i32, i32) {
    %c0_i32 = arith.constant 0 : i32
    %c0_i32_0 = arith.constant 0 : i32
    %c0_i32_1 = arith.constant 0 : i32
    return %c0_i32, %c0_i32_0 : i32, i32
  }
  func.func @transform_4(%arg0: i32) -> (i32, i32) {
    %c0_i32 = arith.constant 0 : i32
    %c0_i32_0 = arith.constant 0 : i32
    %c0_i32_1 = arith.constant 0 : i32
    return %c0_i32, %c0_i32_0 : i32, i32
  }
  func.func @transform_5(%arg0: i32) -> (i32, i32) {
    %c0_i32 = arith.constant 0 : i32
    %c0_i32_0 = arith.constant 0 : i32
    %c0_i32_1 = arith.constant 0 : i32
    return %c0_i32, %c0_i32_0 : i32, i32
  }
  func.func @transform_6(%arg0: i32) -> (i32, i32) {
    %c0_i32 = arith.constant 0 : i32
    %c0_i32_0 = arith.constant 0 : i32
    return %arg0, %c0_i32 : i32, i32
  }
}

module attributes {stable_mosaic.version = 14 : i64} {
  func.func @_attn_kern(%arg0: i32, %arg1: i32, %arg2: memref<1x256x64xf32, #tpu.memory_space<vmem>>, %arg3: memref<1x2048x64xf32, #tpu.memory_space<vmem>>, %arg4: memref<1x2048x64xf32, #tpu.memory_space<vmem>>, %arg5: memref<1x256x64xf32, #tpu.memory_space<vmem>>) attributes {dimension_semantics = [#tpu.dimension_semantics<arbitrary>, #tpu.dimension_semantics<arbitrary>], iteration_bounds = array<i64: 16, 8>, scalar_prefetch = 0 : i64, scratch_operands = 0 : i64, tpu.core_type = #tpu.core_type<tc>, window_params = [{transform_indices = @transform_0, window_bounds = array<i64: 1, 256, 64>}, {transform_indices = @transform_1, window_bounds = array<i64: 1, 2048, 64>}, {transform_indices = @transform_2, window_bounds = array<i64: 1, 2048, 64>}, {transform_indices = @transform_3, window_bounds = array<i64: 1, 256, 64>}]} {
    %get3A = arith.constant 0 : index
    %get3A_0 = arith.constant 0 : index
    %get3A_1 = arith.constant 0 : index
    %get3A_2 = vector.load %arg2[%get3A, %get3A_0, %get3A_1] : memref<1x256x64xf32, #tpu.memory_space<vmem>>, vector<1x256x64xf32>
    %get3A_3 = vector.shape_cast %get3A_2 : vector<1x256x64xf32> to vector<256x64xf32>
    %get3A_4 = arith.constant 0 : index
    %get3A_5 = arith.constant 0 : index
    %get3A_6 = arith.constant 0 : index
    %get3A_7 = vector.load %arg3[%get3A_4, %get3A_5, %get3A_6] : memref<1x2048x64xf32, #tpu.memory_space<vmem>>, vector<1x2048x64xf32>
    %get3A_8 = vector.shape_cast %get3A_7 : vector<1x2048x64xf32> to vector<2048x64xf32>
    %get3A_9 = arith.constant 0 : index
    %get3A_10 = arith.constant 0 : index
    %get3A_11 = arith.constant 0 : index
    %get3A_12 = vector.load %arg4[%get3A_9, %get3A_10, %get3A_11] : memref<1x2048x64xf32, #tpu.memory_space<vmem>>, vector<1x2048x64xf32>
    %get3A_13 = vector.shape_cast %get3A_12 : vector<1x2048x64xf32> to vector<2048x64xf32>
    %dot_general3A = arith.constant dense<0.000000e+00> : vector<256x2048xf32>
    %dot_general3A_14 = tpu.matmul %get3A_3, %get3A_8, %dot_general3A {dimension_numbers = #tpu.dot_dimension_numbers<[1], [1], [0], [0], [0, 0, 1, 0], [], []>, transpose_lhs_hint = false} : vector<256x64xf32>, vector<2048x64xf32>, vector<256x2048xf32> -> vector<256x2048xf32>
    %mul3A = arith.constant 1.250000e-01 : f32
    %mul3A_15 = vector.broadcast %mul3A : f32 to vector<256x2048xf32>
    %mul3A_16 = arith.mulf %dot_general3A_14, %mul3A_15 : vector<256x2048xf32>
    %reduce_max3A = arith.constant dense<0xFF800000> : vector<256xf32>
    %reduce_max3A_17 = vector.multi_reduction <maximumf>, %mul3A_16, %reduce_max3A [1] : vector<256x2048xf32> to vector<256xf32>
    %broadcast_in_dim3A = vector.shape_cast %reduce_max3A_17 : vector<256xf32> to vector<256x1xf32>
    %sub3A = vector.broadcast %broadcast_in_dim3A : vector<256x1xf32> to vector<256x2048xf32>
    %sub3A_18 = arith.subf %mul3A_16, %sub3A : vector<256x2048xf32>
    %exp3A = math.exp %sub3A_18 : vector<256x2048xf32>
    %reduce_sum3A = arith.constant dense<0.000000e+00> : vector<256xf32>
    %reduce_sum3A_19 = vector.multi_reduction <add>, %exp3A, %reduce_sum3A [1] : vector<256x2048xf32> to vector<256xf32>
    %broadcast_in_dim3A_20 = vector.shape_cast %reduce_sum3A_19 : vector<256xf32> to vector<256x1xf32>
    %div3A = vector.broadcast %broadcast_in_dim3A_20 : vector<256x1xf32> to vector<256x2048xf32>
    %div3A_21 = arith.divf %exp3A, %div3A : vector<256x2048xf32>
    %dot_general3A_22 = arith.constant dense<0.000000e+00> : vector<256x64xf32>
    %dot_general3A_23 = tpu.matmul %div3A_21, %get3A_13, %dot_general3A_22 {dimension_numbers = #tpu.dot_dimension_numbers<[1], [0], [0], [1], [0, 0, 1, 1], [], []>, transpose_lhs_hint = false} : vector<256x2048xf32>, vector<2048x64xf32>, vector<256x64xf32> -> vector<256x64xf32>
    %swap3A = arith.constant 0 : index
    %swap3A_24 = arith.constant 0 : index
    %swap3A_25 = arith.constant 0 : index
    %swap3A_26 = vector.load %arg5[%swap3A, %swap3A_24, %swap3A_25] : memref<1x256x64xf32, #tpu.memory_space<vmem>>, vector<1x256x64xf32>
    %swap3A_27 = vector.shape_cast %swap3A_26 : vector<1x256x64xf32> to vector<256x64xf32>
    %swap3A_28 = vector.shape_cast %dot_general3A_23 : vector<256x64xf32> to vector<1x256x64xf32>
    tpu.vector_store %arg5[%swap3A, %swap3A_24, %swap3A_25], %swap3A_28 {strides = array<i32>} : memref<1x256x64xf32, #tpu.memory_space<vmem>>, vector<1x256x64xf32>,
    return
  }
  func.func @transform_0(%arg0: i32, %arg1: i32) -> (i32, i32, i32) {
    %c0_i32 = arith.constant 0 : i32
    %c0_i32_0 = arith.constant 0 : i32
    return %arg0, %arg1, %c0_i32 : i32, i32, i32
  }
  func.func @transform_1(%arg0: i32, %arg1: i32) -> (i32, i32, i32) {
    %c0_i32 = arith.constant 0 : i32
    %c0_i32_0 = arith.constant 0 : i32
    %c0_i32_1 = arith.constant 0 : i32
    return %arg0, %c0_i32, %c0_i32_0 : i32, i32, i32
  }
  func.func @transform_2(%arg0: i32, %arg1: i32) -> (i32, i32, i32) {
    %c0_i32 = arith.constant 0 : i32
    %c0_i32_0 = arith.constant 0 : i32
    %c0_i32_1 = arith.constant 0 : i32
    return %arg0, %c0_i32, %c0_i32_0 : i32, i32, i32
  }
  func.func @transform_3(%arg0: i32, %arg1: i32) -> (i32, i32, i32) {
    %c0_i32 = arith.constant 0 : i32
    %c0_i32_0 = arith.constant 0 : i32
    return %arg0, %arg1, %c0_i32 : i32, i32, i32
  }
}

module attributes {stable_mosaic.version = 14 : i64} {
  func.func @_post_kern(%arg0: i32, %arg1: memref<256x1024xf32, #tpu.memory_space<vmem>>, %arg2: memref<256x1024xf32, #tpu.memory_space<vmem>>, %arg3: memref<1024x1024xf32, #tpu.memory_space<vmem>>, %arg4: memref<1x1024xf32, #tpu.memory_space<vmem>>, %arg5: memref<1x1024xf32, #tpu.memory_space<vmem>>, %arg6: memref<1024x8xf32, #tpu.memory_space<vmem>>, %arg7: memref<256x1024xf32, #tpu.memory_space<vmem>>, %arg8: memref<256x1024xf32, #tpu.memory_space<vmem>>, %arg9: memref<256x8xf32, #tpu.memory_space<vmem>>) attributes {dimension_semantics = [#tpu.dimension_semantics<arbitrary>], iteration_bounds = array<i64: 9>, scalar_prefetch = 0 : i64, scratch_operands = 0 : i64, tpu.core_type = #tpu.core_type<tc>, window_params = [{transform_indices = @transform_0, window_bounds = array<i64: 256, 1024>}, {transform_indices = @transform_1, window_bounds = array<i64: 256, 1024>}, {pipeline_mode = #tpu.pipeline_mode<synchronous>, transform_indices = @transform_2, window_bounds = array<i64: 1024, 1024>}, {pipeline_mode = #tpu.pipeline_mode<synchronous>, transform_indices = @transform_3, window_bounds = array<i64: 1, 1024>}, {pipeline_mode = #tpu.pipeline_mode<synchronous>, transform_indices = @transform_4, window_bounds = array<i64: 1, 1024>}, {pipeline_mode = #tpu.pipeline_mode<synchronous>, transform_indices = @transform_5, window_bounds = array<i64: 1024, 8>}, {transform_indices = @transform_6, window_bounds = array<i64: 256, 1024>}, {transform_indices = @transform_7, window_bounds = array<i64: 256, 1024>}, {transform_indices = @transform_8, window_bounds = array<i64: 256, 8>}]} {
    %get3A = arith.constant 0 : index
    %get3A_0 = arith.constant 0 : index
    %get3A_1 = vector.load %arg2[%get3A, %get3A_0] : memref<256x1024xf32, #tpu.memory_space<vmem>>, vector<256x1024xf32>
    %get3A_2 = arith.constant 0 : index
    %get3A_3 = arith.constant 0 : index
    %get3A_4 = vector.load %arg1[%get3A_2, %get3A_3] : memref<256x1024xf32, #tpu.memory_space<vmem>>, vector<256x1024xf32>
    %get3A_5 = arith.constant 0 : index
    %get3A_6 = arith.constant 0 : index
    %get3A_7 = vector.load %arg3[%get3A_5, %get3A_6] : memref<1024x1024xf32, #tpu.memory_space<vmem>>, vector<1024x1024xf32>
    %dot_general3A = arith.constant dense<0.000000e+00> : vector<256x1024xf32>
    %dot_general3A_8 = tpu.matmul %get3A_4, %get3A_7, %dot_general3A {dimension_numbers = #tpu.dot_dimension_numbers<[1], [0], [0], [1], [0, 0, 1, 1], [], []>, transpose_lhs_hint = false} : vector<256x1024xf32>, vector<1024x1024xf32>, vector<256x1024xf32> -> vector<256x1024xf32>
    %add3A = arith.addf %get3A_1, %dot_general3A_8 : vector<256x1024xf32>
    %swap3A = arith.constant 0 : index
    %swap3A_9 = arith.constant 0 : index
    %swap3A_10 = vector.load %arg7[%swap3A, %swap3A_9] : memref<256x1024xf32, #tpu.memory_space<vmem>>, vector<256x1024xf32>
    tpu.vector_store %arg7[%swap3A, %swap3A_9], %add3A {strides = array<i32>} : memref<256x1024xf32, #tpu.memory_space<vmem>>, vector<256x1024xf32>,
    %get3A_11 = arith.constant 0 : index
    %get3A_12 = arith.constant 0 : index
    %get3A_13 = vector.load %arg4[%get3A_11, %get3A_12] : memref<1x1024xf32, #tpu.memory_space<vmem>>, vector<1x1024xf32>
    %get3A_14 = arith.constant 0 : index
    %get3A_15 = arith.constant 0 : index
    %get3A_16 = vector.load %arg5[%get3A_14, %get3A_15] : memref<1x1024xf32, #tpu.memory_space<vmem>>, vector<1x1024xf32>
    %reduce_sum3A = arith.constant dense<0.000000e+00> : vector<256xf32>
    %reduce_sum3A_17 = vector.multi_reduction <add>, %add3A, %reduce_sum3A [1] : vector<256x1024xf32> to vector<256xf32>
    %broadcast_in_dim3A = vector.shape_cast %reduce_sum3A_17 : vector<256xf32> to vector<256x1xf32>
    %div3A = arith.constant 1.024000e+03 : f32
    %div3A_18 = vector.broadcast %div3A : f32 to vector<256x1xf32>
    %div3A_19 = arith.divf %broadcast_in_dim3A, %div3A_18 : vector<256x1xf32>
    %sub3A = vector.broadcast %div3A_19 : vector<256x1xf32> to vector<256x1024xf32>
    %sub3A_20 = arith.subf %add3A, %sub3A : vector<256x1024xf32>
    %integer_pow3A = arith.mulf %sub3A_20, %sub3A_20 : vector<256x1024xf32>
    %reduce_sum3A_21 = arith.constant dense<0.000000e+00> : vector<256xf32>
    %reduce_sum3A_22 = vector.multi_reduction <add>, %integer_pow3A, %reduce_sum3A_21 [1] : vector<256x1024xf32> to vector<256xf32>
    %broadcast_in_dim3A_23 = vector.shape_cast %reduce_sum3A_22 : vector<256xf32> to vector<256x1xf32>
    %div3A_24 = arith.constant 1.024000e+03 : f32
    %div3A_25 = vector.broadcast %div3A_24 : f32 to vector<256x1xf32>
    %div3A_26 = arith.divf %broadcast_in_dim3A_23, %div3A_25 : vector<256x1xf32>
    %sub3A_27 = vector.broadcast %div3A_19 : vector<256x1xf32> to vector<256x1024xf32>
    %sub3A_28 = arith.subf %add3A, %sub3A_27 : vector<256x1024xf32>
    %add3A_29 = arith.constant 9.99999974E-6 : f32
    %add3A_30 = vector.broadcast %add3A_29 : f32 to vector<256x1xf32>
    %add3A_31 = arith.addf %div3A_26, %add3A_30 : vector<256x1xf32>
    %rsqrt3A = math.rsqrt %add3A_31 : vector<256x1xf32>
    %mul3A = vector.broadcast %rsqrt3A : vector<256x1xf32> to vector<256x1024xf32>
    %mul3A_32 = arith.mulf %sub3A_28, %mul3A : vector<256x1024xf32>
    %mul3A_33 = vector.broadcast %get3A_13 : vector<1x1024xf32> to vector<256x1024xf32>
    %mul3A_34 = arith.mulf %mul3A_32, %mul3A_33 : vector<256x1024xf32>
    %add3A_35 = vector.broadcast %get3A_16 : vector<1x1024xf32> to vector<256x1024xf32>
    %add3A_36 = arith.addf %mul3A_34, %add3A_35 : vector<256x1024xf32>
    %get3A_37 = arith.constant 0 : index
    %get3A_38 = arith.constant 0 : index
    %get3A_39 = vector.load %arg6[%get3A_37, %get3A_38] : memref<1024x8xf32, #tpu.memory_space<vmem>>, vector<1024x8xf32>
    %dot_general3A_40 = arith.constant dense<0.000000e+00> : vector<256x8xf32>
    %dot_general3A_41 = tpu.matmul %add3A_36, %get3A_39, %dot_general3A_40 {dimension_numbers = #tpu.dot_dimension_numbers<[1], [0], [0], [1], [0, 0, 1, 1], [], []>, transpose_lhs_hint = false} : vector<256x1024xf32>, vector<1024x8xf32>, vector<256x8xf32> -> vector<256x8xf32>
    %swap3A_42 = arith.constant 0 : index
    %swap3A_43 = arith.constant 0 : index
    %swap3A_44 = vector.load %arg9[%swap3A_42, %swap3A_43] : memref<256x8xf32, #tpu.memory_space<vmem>>, vector<256x8xf32>
    tpu.vector_store %arg9[%swap3A_42, %swap3A_43], %dot_general3A_41 {strides = array<i32>} : memref<256x8xf32, #tpu.memory_space<vmem>>, vector<256x8xf32>,
    %eq3A = arith.constant 8 : i32
    %eq3A_45 = arith.cmpi eq, %arg0, %eq3A : i32
    %broadcast_in_dim3A_46 = arith.constant 0.000000e+00 : f32
    %broadcast_in_dim3A_47 = vector.broadcast %broadcast_in_dim3A_46 : f32 to vector<256x1024xf32>
    %select_n3A = arith.select %eq3A_45, %broadcast_in_dim3A_47, %add3A_36 : vector<256x1024xf32>
    %swap3A_48 = arith.constant 0 : index
    %swap3A_49 = arith.constant 0 : index
    %swap3A_50 = vector.load %arg8[%swap3A_48, %swap3A_49] : memref<256x1024xf32, #tpu.memory_space<vmem>>, vector<256x1024xf32>
    tpu.vector_store %arg8[%swap3A_48, %swap3A_49], %select_n3A {strides = array<i32>} : memref<256x1024xf32, #tpu.memory_space<vmem>>, vector<256x1024xf32>,
    return
  }
  func.func @transform_0(%arg0: i32) -> (i32, i32) {
    %min3A = arith.constant 7 : i32
    %min3A_0 = arith.minsi %arg0, %min3A : i32
    %c0_i32 = arith.constant 0 : i32
    %c0_i32_1 = arith.constant 0 : i32
    return %min3A_0, %c0_i32 : i32, i32
  }
  func.func @transform_1(%arg0: i32) -> (i32, i32) {
    %min3A = arith.constant 7 : i32
    %min3A_0 = arith.minsi %arg0, %min3A : i32
    %c0_i32 = arith.constant 0 : i32
    %c0_i32_1 = arith.constant 0 : i32
    return %min3A_0, %c0_i32 : i32, i32
  }
  func.func @transform_2(%arg0: i32) -> (i32, i32) {
    %c0_i32 = arith.constant 0 : i32
    %c0_i32_0 = arith.constant 0 : i32
    %c0_i32_1 = arith.constant 0 : i32
    return %c0_i32, %c0_i32_0 : i32, i32
  }
  func.func @transform_3(%arg0: i32) -> (i32, i32) {
    %c0_i32 = arith.constant 0 : i32
    %c0_i32_0 = arith.constant 0 : i32
    %c0_i32_1 = arith.constant 0 : i32
    return %c0_i32, %c0_i32_0 : i32, i32
  }
  func.func @transform_4(%arg0: i32) -> (i32, i32) {
    %c0_i32 = arith.constant 0 : i32
    %c0_i32_0 = arith.constant 0 : i32
    %c0_i32_1 = arith.constant 0 : i32
    return %c0_i32, %c0_i32_0 : i32, i32
  }
  func.func @transform_5(%arg0: i32) -> (i32, i32) {
    %c0_i32 = arith.constant 0 : i32
    %c0_i32_0 = arith.constant 0 : i32
    %c0_i32_1 = arith.constant 0 : i32
    return %c0_i32, %c0_i32_0 : i32, i32
  }
  func.func @transform_6(%arg0: i32) -> (i32, i32) {
    %min3A = arith.constant 7 : i32
    %min3A_0 = arith.minsi %arg0, %min3A : i32
    %c0_i32 = arith.constant 0 : i32
    %c0_i32_1 = arith.constant 0 : i32
    return %min3A_0, %c0_i32 : i32, i32
  }
  func.func @transform_7(%arg0: i32) -> (i32, i32) {
    %c0_i32 = arith.constant 0 : i32
    %c0_i32_0 = arith.constant 0 : i32
    return %arg0, %c0_i32 : i32, i32
  }
  func.func @transform_8(%arg0: i32) -> (i32, i32) {
    %min3A = arith.constant 7 : i32
    %min3A_0 = arith.minsi %arg0, %min3A : i32
    %c0_i32 = arith.constant 0 : i32
    %c0_i32_1 = arith.constant 0 : i32
    return %min3A_0, %c0_i32 : i32, i32
  }
}

module attributes {stable_mosaic.version = 14 : i64} {
  func.func @_gate_kern(%arg0: memref<2048x8xf32, #tpu.memory_space<vmem>>, %arg1: memref<2048xi32, #tpu.memory_space<vmem>>, %arg2: memref<2048xi32, #tpu.memory_space<vmem>>, %arg3: memref<2048xi32, #tpu.memory_space<vmem>>, %arg4: memref<2048xi32, #tpu.memory_space<vmem>>, %arg5: memref<2048x16xf32, #tpu.memory_space<vmem>>, %arg6: memref<2048x16xf32, #tpu.memory_space<vmem>>) attributes {dimension_semantics = [], scalar_prefetch = 0 : i64, scratch_operands = 0 : i64, tpu.core_type = #tpu.core_type<tc>} {
    %get3A = arith.constant 0 : index
    %get3A_0 = arith.constant 0 : index
    %get3A_1 = vector.load %arg0[%get3A, %get3A_0] : memref<2048x8xf32, #tpu.memory_space<vmem>>, vector<2048x8xf32>
    %reduce_max3A = arith.constant dense<0xFF800000> : vector<2048xf32>
    %reduce_max3A_2 = vector.multi_reduction <maximumf>, %get3A_1, %reduce_max3A [1] : vector<2048x8xf32> to vector<2048xf32>
    %broadcast_in_dim3A = vector.shape_cast %reduce_max3A_2 : vector<2048xf32> to vector<2048x1xf32>
    %sub3A = vector.broadcast %broadcast_in_dim3A : vector<2048x1xf32> to vector<2048x8xf32>
    %sub3A_3 = arith.subf %get3A_1, %sub3A : vector<2048x8xf32>
    %exp3A = math.exp %sub3A_3 : vector<2048x8xf32>
    %reduce_sum3A = arith.constant dense<0.000000e+00> : vector<2048xf32>
    %reduce_sum3A_4 = vector.multi_reduction <add>, %exp3A, %reduce_sum3A [1] : vector<2048x8xf32> to vector<2048xf32>
    %broadcast_in_dim3A_5 = vector.shape_cast %reduce_sum3A_4 : vector<2048xf32> to vector<2048x1xf32>
    %div3A = vector.broadcast %broadcast_in_dim3A_5 : vector<2048x1xf32> to vector<2048x8xf32>
    %div3A_6 = arith.divf %exp3A, %div3A : vector<2048x8xf32>
    %iota3A = tpu.iota {dimensions = array<i32: 1>} : vector<2048x8xi32>
    %reduce_max3A_7 = arith.constant dense<0xFF800000> : vector<2048xf32>
    %reduce_max3A_8 = vector.multi_reduction <maximumf>, %div3A_6, %reduce_max3A_7 [1] : vector<2048x8xf32> to vector<2048xf32>
    %broadcast_in_dim3A_9 = vector.shape_cast %reduce_max3A_8 : vector<2048xf32> to vector<2048x1xf32>
    %eq3A = vector.broadcast %broadcast_in_dim3A_9 : vector<2048x1xf32> to vector<2048x8xf32>
    %eq3A_10 = arith.cmpf oeq, %div3A_6, %eq3A : vector<2048x8xf32>
    %jit3A = arith.constant 8 : i32
    %broadcast_in_dim3A_11 = vector.broadcast %jit3A : i32 to vector<2048x8xi32>
    %select_n3A = arith.select %eq3A_10, %iota3A, %broadcast_in_dim3A_11 : vector<2048x8xi1>, vector<2048x8xi32>
    %reduce_min3A = arith.constant dense<2147483647> : vector<2048xi32>
    %reduce_min3A_12 = vector.multi_reduction <minsi>, %select_n3A, %reduce_min3A [1] : vector<2048x8xi32> to vector<2048xi32>
    %broadcast_in_dim3A_13 = vector.shape_cast %reduce_min3A_12 : vector<2048xi32> to vector<2048x1xi32>
    %eq3A_14 = vector.broadcast %broadcast_in_dim3A_13 : vector<2048x1xi32> to vector<2048x8xi32>
    %eq3A_15 = arith.cmpi eq, %iota3A, %eq3A_14 : vector<2048x8xi32>
    %jit3A_16 = arith.constant 0xFF800000 : f32
    %broadcast_in_dim3A_17 = vector.broadcast %jit3A_16 : f32 to vector<2048x8xf32>
    %select_n3A_18 = arith.select %eq3A_15, %broadcast_in_dim3A_17, %get3A_1 : vector<2048x8xi1>, vector<2048x8xf32>
    %reduce_max3A_19 = arith.constant dense<0xFF800000> : vector<2048xf32>
    %reduce_max3A_20 = vector.multi_reduction <maximumf>, %select_n3A_18, %reduce_max3A_19 [1] : vector<2048x8xf32> to vector<2048xf32>
    %broadcast_in_dim3A_21 = vector.shape_cast %reduce_max3A_20 : vector<2048xf32> to vector<2048x1xf32>
    %eq3A_22 = vector.broadcast %broadcast_in_dim3A_21 : vector<2048x1xf32> to vector<2048x8xf32>
    %eq3A_23 = arith.cmpf oeq, %select_n3A_18, %eq3A_22 : vector<2048x8xf32>
    %jit3A_24 = arith.constant 8 : i32
    %broadcast_in_dim3A_25 = vector.broadcast %jit3A_24 : i32 to vector<2048x8xi32>
    %select_n3A_26 = arith.select %eq3A_23, %iota3A, %broadcast_in_dim3A_25 : vector<2048x8xi1>, vector<2048x8xi32>
    %reduce_min3A_27 = arith.constant dense<2147483647> : vector<2048xi32>
    %reduce_min3A_28 = vector.multi_reduction <minsi>, %select_n3A_26, %reduce_min3A_27 [1] : vector<2048x8xi32> to vector<2048xi32>
    %broadcast_in_dim3A_29 = vector.shape_cast %reduce_min3A_28 : vector<2048xi32> to vector<2048x1xi32>
    %eq3A_30 = vector.broadcast %broadcast_in_dim3A_29 : vector<2048x1xi32> to vector<2048x8xi32>
    %eq3A_31 = arith.cmpi eq, %iota3A, %eq3A_30 : vector<2048x8xi32>
    %convert_element_type3A = arith.extui %eq3A_15 : vector<2048x8xi1> to vector<2048x8xi32>
    %convert_element_type3A_32 = arith.sitofp %convert_element_type3A : vector<2048x8xi32> to vector<2048x8xf32>
    %convert_element_type3A_33 = arith.extui %eq3A_31 : vector<2048x8xi1> to vector<2048x8xi32>
    %convert_element_type3A_34 = arith.sitofp %convert_element_type3A_33 : vector<2048x8xi32> to vector<2048x8xf32>
    %iota3A_35 = tpu.iota {dimensions = array<i32: 0>} : vector<2048x2048xi32>
    %iota3A_36 = tpu.iota {dimensions = array<i32: 1>} : vector<2048x2048xi32>
    %ge3A = arith.cmpi sge, %iota3A_35, %iota3A_36 : vector<2048x2048xi32>
    %convert_element_type3A_37 = arith.extui %ge3A : vector<2048x2048xi1> to vector<2048x2048xi32>
    %convert_element_type3A_38 = arith.sitofp %convert_element_type3A_37 : vector<2048x2048xi32> to vector<2048x2048xf32>
    %convert_element_type3A_39 = arith.truncf %convert_element_type3A_38 : vector<2048x2048xf32> to vector<2048x2048xbf16>
    %convert_element_type3A_40 = arith.truncf %convert_element_type3A_32 : vector<2048x8xf32> to vector<2048x8xbf16>
    %dot_general3A = arith.constant dense<0.000000e+00> : vector<2048x8xf32>
    %dot_general3A_41 = tpu.matmul %convert_element_type3A_39, %convert_element_type3A_40, %dot_general3A {dimension_numbers = #tpu.dot_dimension_numbers<[1], [0], [0], [1], [0, 0, 1, 1], [], []>, transpose_lhs_hint = false} : vector<2048x2048xbf16>, vector<2048x8xbf16>, vector<2048x8xf32> -> vector<2048x8xf32>
    %convert_element_type3A_42 = arith.truncf %convert_element_type3A_34 : vector<2048x8xf32> to vector<2048x8xbf16>
    %dot_general3A_43 = arith.constant dense<0.000000e+00> : vector<2048x8xf32>
    %dot_general3A_44 = tpu.matmul %convert_element_type3A_39, %convert_element_type3A_42, %dot_general3A_43 {dimension_numbers = #tpu.dot_dimension_numbers<[1], [0], [0], [1], [0, 0, 1, 1], [], []>, transpose_lhs_hint = false} : vector<2048x2048xbf16>, vector<2048x8xbf16>, vector<2048x8xf32> -> vector<2048x8xf32>
    %sub3A_45 = arith.constant 1.000000e+00 : f32
    %sub3A_46 = vector.broadcast %sub3A_45 : f32 to vector<2048x8xf32>
    %sub3A_47 = arith.subf %dot_general3A_41, %sub3A_46 : vector<2048x8xf32>
    %sub3A_48 = arith.constant 1.000000e+00 : f32
    %sub3A_49 = vector.broadcast %sub3A_48 : f32 to vector<2048x8xf32>
    %sub3A_50 = arith.subf %dot_general3A_44, %sub3A_49 : vector<2048x8xf32>
    %reduce_sum3A_51 = arith.constant dense<0.000000e+00> : vector<8xf32>
    %reduce_sum3A_52 = vector.multi_reduction <add>, %convert_element_type3A_32, %reduce_sum3A_51 [0] : vector<2048x8xf32> to vector<8xf32>
    %broadcast_in_dim3A_53 = vector.shape_cast %reduce_sum3A_52 : vector<8xf32> to vector<1x8xf32>
    %add3A = vector.broadcast %broadcast_in_dim3A_53 : vector<1x8xf32> to vector<2048x8xf32>
    %add3A_54 = arith.addf %sub3A_50, %add3A : vector<2048x8xf32>
    %lt3A = arith.constant 5.120000e+02 : f32
    %lt3A_55 = vector.broadcast %lt3A : f32 to vector<2048x8xf32>
    %lt3A_56 = arith.cmpf olt, %sub3A_47, %lt3A_55 : vector<2048x8xf32>
    %convert_element_type3A_57 = arith.extui %lt3A_56 : vector<2048x8xi1> to vector<2048x8xi32>
    %convert_element_type3A_58 = arith.sitofp %convert_element_type3A_57 : vector<2048x8xi32> to vector<2048x8xf32>
    %mul3A = arith.mulf %convert_element_type3A_32, %convert_element_type3A_58 : vector<2048x8xf32>
    %lt3A_59 = arith.constant 5.120000e+02 : f32
    %lt3A_60 = vector.broadcast %lt3A_59 : f32 to vector<2048x8xf32>
    %lt3A_61 = arith.cmpf olt, %add3A_54, %lt3A_60 : vector<2048x8xf32>
    %convert_element_type3A_62 = arith.extui %lt3A_61 : vector<2048x8xi1> to vector<2048x8xi32>
    %convert_element_type3A_63 = arith.sitofp %convert_element_type3A_62 : vector<2048x8xi32> to vector<2048x8xf32>
    %mul3A_64 = arith.mulf %convert_element_type3A_34, %convert_element_type3A_63 : vector<2048x8xf32>
    %mul3A_65 = arith.mulf %sub3A_47, %mul3A : vector<2048x8xf32>
    %reduce_sum3A_66 = arith.constant dense<0.000000e+00> : vector<2048xf32>
    %reduce_sum3A_67 = vector.multi_reduction <add>, %mul3A_65, %reduce_sum3A_66 [1] : vector<2048x8xf32> to vector<2048xf32>
    %convert_element_type3A_68 = arith.fptosi %reduce_sum3A_67 : vector<2048xf32> to vector<2048xi32>
    %mul3A_69 = arith.mulf %add3A_54, %mul3A_64 : vector<2048x8xf32>
    %reduce_sum3A_70 = arith.constant dense<0.000000e+00> : vector<2048xf32>
    %reduce_sum3A_71 = vector.multi_reduction <add>, %mul3A_69, %reduce_sum3A_70 [1] : vector<2048x8xf32> to vector<2048xf32>
    %convert_element_type3A_72 = arith.fptosi %reduce_sum3A_71 : vector<2048xf32> to vector<2048xi32>
    %mul3A_73 = arith.mulf %div3A_6, %mul3A : vector<2048x8xf32>
    %reduce_sum3A_74 = arith.constant dense<0.000000e+00> : vector<2048xf32>
    %reduce_sum3A_75 = vector.multi_reduction <add>, %mul3A_73, %reduce_sum3A_74 [1] : vector<2048x8xf32> to vector<2048xf32>
    %mul3A_76 = arith.mulf %div3A_6, %mul3A_64 : vector<2048x8xf32>
    %reduce_sum3A_77 = arith.constant dense<0.000000e+00> : vector<2048xf32>
    %reduce_sum3A_78 = vector.multi_reduction <add>, %mul3A_76, %reduce_sum3A_77 [1] : vector<2048x8xf32> to vector<2048xf32>
    %add3A_79 = arith.addf %reduce_sum3A_75, %reduce_sum3A_78 : vector<2048xf32>
    %max3A = arith.constant 1.1920929E-7 : f32
    %max3A_80 = vector.broadcast %max3A : f32 to vector<2048xf32>
    %max3A_81 = arith.maximumf %add3A_79, %max3A_80 : vector<2048xf32>
    %div3A_82 = arith.divf %reduce_sum3A_75, %max3A_81 : vector<2048xf32>
    %div3A_83 = arith.divf %reduce_sum3A_78, %max3A_81 : vector<2048xf32>
    %reduce_sum3A_84 = arith.constant dense<0.000000e+00> : vector<2048xf32>
    %reduce_sum3A_85 = vector.multi_reduction <add>, %mul3A, %reduce_sum3A_84 [1] : vector<2048x8xf32> to vector<2048xf32>
    %gt3A = arith.constant 0.000000e+00 : f32
    %gt3A_86 = vector.broadcast %gt3A : f32 to vector<2048xf32>
    %gt3A_87 = arith.cmpf ogt, %reduce_sum3A_85, %gt3A_86 : vector<2048xf32>
    %reduce_sum3A_88 = arith.constant dense<0.000000e+00> : vector<2048xf32>
    %reduce_sum3A_89 = vector.multi_reduction <add>, %mul3A_64, %reduce_sum3A_88 [1] : vector<2048x8xf32> to vector<2048xf32>
    %gt3A_90 = arith.constant 0.000000e+00 : f32
    %gt3A_91 = vector.broadcast %gt3A_90 : f32 to vector<2048xf32>
    %gt3A_92 = arith.cmpf ogt, %reduce_sum3A_89, %gt3A_91 : vector<2048xf32>
    %mul3A_93 = arith.constant 512 : i32
    %mul3A_94 = vector.broadcast %mul3A_93 : i32 to vector<2048xi32>
    %mul3A_95 = arith.muli %reduce_min3A_12, %mul3A_94 : vector<2048xi32>
    %add3A_96 = arith.addi %mul3A_95, %convert_element_type3A_68 : vector<2048xi32>
    %mul3A_97 = arith.constant 512 : i32
    %mul3A_98 = vector.broadcast %mul3A_97 : i32 to vector<2048xi32>
    %mul3A_99 = arith.muli %reduce_min3A_28, %mul3A_98 : vector<2048xi32>
    %add3A_100 = arith.addi %mul3A_99, %convert_element_type3A_72 : vector<2048xi32>
    %jit3A_101 = arith.constant 4096 : i32
    %broadcast_in_dim3A_102 = vector.broadcast %jit3A_101 : i32 to vector<2048xi32>
    %select_n3A_103 = arith.select %gt3A_87, %add3A_96, %broadcast_in_dim3A_102 : vector<2048xi1>, vector<2048xi32>
    %swap3A = arith.constant 0 : index
    %swap3A_104 = vector.load %arg1[%swap3A] : memref<2048xi32, #tpu.memory_space<vmem>>, vector<2048xi32>
    tpu.vector_store %arg1[%swap3A], %select_n3A_103 {strides = array<i32>} : memref<2048xi32, #tpu.memory_space<vmem>>, vector<2048xi32>,
    %jit3A_105 = arith.constant 4096 : i32
    %broadcast_in_dim3A_106 = vector.broadcast %jit3A_105 : i32 to vector<2048xi32>
    %select_n3A_107 = arith.select %gt3A_92, %add3A_100, %broadcast_in_dim3A_106 : vector<2048xi1>, vector<2048xi32>
    %swap3A_108 = arith.constant 0 : index
    %swap3A_109 = vector.load %arg2[%swap3A_108] : memref<2048xi32, #tpu.memory_space<vmem>>, vector<2048xi32>
    tpu.vector_store %arg2[%swap3A_108], %select_n3A_107 {strides = array<i32>} : memref<2048xi32, #tpu.memory_space<vmem>>, vector<2048xi32>,
    %jit3A_110 = arith.constant 0 : i32
    %broadcast_in_dim3A_111 = vector.broadcast %jit3A_110 : i32 to vector<2048xi32>
    %select_n3A_112 = arith.select %gt3A_87, %add3A_96, %broadcast_in_dim3A_111 : vector<2048xi1>, vector<2048xi32>
    %swap3A_113 = arith.constant 0 : index
    %swap3A_114 = vector.load %arg3[%swap3A_113] : memref<2048xi32, #tpu.memory_space<vmem>>, vector<2048xi32>
    tpu.vector_store %arg3[%swap3A_113], %select_n3A_112 {strides = array<i32>} : memref<2048xi32, #tpu.memory_space<vmem>>, vector<2048xi32>,
    %jit3A_115 = arith.constant 0 : i32
    %broadcast_in_dim3A_116 = vector.broadcast %jit3A_115 : i32 to vector<2048xi32>
    %select_n3A_117 = arith.select %gt3A_92, %add3A_100, %broadcast_in_dim3A_116 : vector<2048xi1>, vector<2048xi32>
    %swap3A_118 = arith.constant 0 : index
    %swap3A_119 = vector.load %arg4[%swap3A_118] : memref<2048xi32, #tpu.memory_space<vmem>>, vector<2048xi32>
    tpu.vector_store %arg4[%swap3A_118], %select_n3A_117 {strides = array<i32>} : memref<2048xi32, #tpu.memory_space<vmem>>, vector<2048xi32>,
    %broadcast_in_dim3A_120 = arith.constant 0.000000e+00 : f32
    %broadcast_in_dim3A_121 = vector.broadcast %broadcast_in_dim3A_120 : f32 to vector<2048x16xf32>
    %jit3A_122 = arith.constant 0.000000e+00 : f32
    %broadcast_in_dim3A_123 = vector.broadcast %jit3A_122 : f32 to vector<2048xf32>
    %select_n3A_124 = arith.select %gt3A_87, %div3A_82, %broadcast_in_dim3A_123 : vector<2048xi1>, vector<2048xf32>
    %broadcast_in_dim3A_125 = vector.shape_cast %select_n3A_124 : vector<2048xf32> to vector<2048x1xf32>
    %add3A_126 = vector.broadcast %broadcast_in_dim3A_125 : vector<2048x1xf32> to vector<2048x16xf32>
    %add3A_127 = arith.addf %add3A_126, %broadcast_in_dim3A_121 : vector<2048x16xf32>
    %swap3A_128 = arith.constant 0 : index
    %swap3A_129 = arith.constant 0 : index
    %swap3A_130 = vector.load %arg5[%swap3A_128, %swap3A_129] : memref<2048x16xf32, #tpu.memory_space<vmem>>, vector<2048x16xf32>
    tpu.vector_store %arg5[%swap3A_128, %swap3A_129], %add3A_127 {strides = array<i32>} : memref<2048x16xf32, #tpu.memory_space<vmem>>, vector<2048x16xf32>,
    %jit3A_131 = arith.constant 0.000000e+00 : f32
    %broadcast_in_dim3A_132 = vector.broadcast %jit3A_131 : f32 to vector<2048xf32>
    %select_n3A_133 = arith.select %gt3A_92, %div3A_83, %broadcast_in_dim3A_132 : vector<2048xi1>, vector<2048xf32>
    %broadcast_in_dim3A_134 = vector.shape_cast %select_n3A_133 : vector<2048xf32> to vector<2048x1xf32>
    %add3A_135 = vector.broadcast %broadcast_in_dim3A_134 : vector<2048x1xf32> to vector<2048x16xf32>
    %add3A_136 = arith.addf %add3A_135, %broadcast_in_dim3A_121 : vector<2048x16xf32>
    %swap3A_137 = arith.constant 0 : index
    %swap3A_138 = arith.constant 0 : index
    %swap3A_139 = vector.load %arg6[%swap3A_137, %swap3A_138] : memref<2048x16xf32, #tpu.memory_space<vmem>>, vector<2048x16xf32>
    tpu.vector_store %arg6[%swap3A_137, %swap3A_138], %add3A_136 {strides = array<i32>} : memref<2048x16xf32, #tpu.memory_space<vmem>>, vector<2048x16xf32>,
    return
  }
}

module attributes {stable_mosaic.version = 14 : i64} {
  func.func @_ffn_kern(%arg0: i32, %arg1: i32, %arg2: memref<1x512x1024xf32, #tpu.memory_space<vmem>>, %arg3: memref<1x1024x512xf32, #tpu.memory_space<vmem>>, %arg4: memref<1x1x512xf32, #tpu.memory_space<vmem>>, %arg5: memref<1x512x1024xf32, #tpu.memory_space<vmem>>, %arg6: memref<1x1x1024xf32, #tpu.memory_space<vmem>>, %arg7: memref<1x512x1024xf32, #tpu.memory_space<vmem>>) attributes {dimension_semantics = [#tpu.dimension_semantics<arbitrary>, #tpu.dimension_semantics<arbitrary>], iteration_bounds = array<i64: 8, 8>, scalar_prefetch = 0 : i64, scratch_operands = 0 : i64, tpu.core_type = #tpu.core_type<tc>, window_params = [{transform_indices = @transform_0, window_bounds = array<i64: 1, 512, 1024>}, {transform_indices = @transform_1, window_bounds = array<i64: 1, 1024, 512>}, {transform_indices = @transform_2, window_bounds = array<i64: 1, 1, 512>}, {transform_indices = @transform_3, window_bounds = array<i64: 1, 512, 1024>}, {transform_indices = @transform_4, window_bounds = array<i64: 1, 1, 1024>}, {transform_indices = @transform_5, window_bounds = array<i64: 1, 512, 1024>}]} {
    %get3A = arith.constant 0 : index
    %get3A_0 = arith.constant 0 : index
    %get3A_1 = arith.constant 0 : index
    %get3A_2 = vector.load %arg2[%get3A, %get3A_0, %get3A_1] : memref<1x512x1024xf32, #tpu.memory_space<vmem>>, vector<1x512x1024xf32>
    %get3A_3 = vector.shape_cast %get3A_2 : vector<1x512x1024xf32> to vector<512x1024xf32>
    %convert_element_type3A = arith.truncf %get3A_3 : vector<512x1024xf32> to vector<512x1024xbf16>
    %get3A_4 = arith.constant 0 : index
    %get3A_5 = arith.constant 0 : index
    %get3A_6 = arith.constant 0 : index
    %get3A_7 = vector.load %arg3[%get3A_4, %get3A_5, %get3A_6] : memref<1x1024x512xf32, #tpu.memory_space<vmem>>, vector<1x1024x512xf32>
    %get3A_8 = vector.shape_cast %get3A_7 : vector<1x1024x512xf32> to vector<1024x512xf32>
    %convert_element_type3A_9 = arith.truncf %get3A_8 : vector<1024x512xf32> to vector<1024x512xbf16>
    %dot_general3A = arith.constant dense<0.000000e+00> : vector<512x512xf32>
    %dot_general3A_10 = tpu.matmul %convert_element_type3A, %convert_element_type3A_9, %dot_general3A {dimension_numbers = #tpu.dot_dimension_numbers<[1], [0], [0], [1], [0, 0, 1, 1], [], []>, transpose_lhs_hint = false} : vector<512x1024xbf16>, vector<1024x512xbf16>, vector<512x512xf32> -> vector<512x512xf32>
    %get3A_11 = arith.constant 0 : index
    %get3A_12 = arith.constant 0 : index
    %get3A_13 = arith.constant 0 : index
    %get3A_14 = vector.load %arg4[%get3A_11, %get3A_12, %get3A_13] : memref<1x1x512xf32, #tpu.memory_space<vmem>>, vector<1x1x512xf32>
    %get3A_15 = vector.shape_cast %get3A_14 : vector<1x1x512xf32> to vector<1x512xf32>
    %add3A = vector.broadcast %get3A_15 : vector<1x512xf32> to vector<512x512xf32>
    %add3A_16 = arith.addf %dot_general3A_10, %add3A : vector<512x512xf32>
    %integer_pow3A = arith.mulf %add3A_16, %add3A_16 : vector<512x512xf32>
    %integer_pow3A_17 = arith.mulf %add3A_16, %integer_pow3A : vector<512x512xf32>
    %mul3A = arith.constant 4.471500e-02 : f32
    %mul3A_18 = vector.broadcast %mul3A : f32 to vector<512x512xf32>
    %mul3A_19 = arith.mulf %mul3A_18, %integer_pow3A_17 : vector<512x512xf32>
    %add3A_20 = arith.addf %add3A_16, %mul3A_19 : vector<512x512xf32>
    %mul3A_21 = arith.constant 0.797884583 : f32
    %mul3A_22 = vector.broadcast %mul3A_21 : f32 to vector<512x512xf32>
    %mul3A_23 = arith.mulf %mul3A_22, %add3A_20 : vector<512x512xf32>
    %tanh3A = math.tanh %mul3A_23 : vector<512x512xf32>
    %add3A_24 = arith.constant 1.000000e+00 : f32
    %add3A_25 = vector.broadcast %add3A_24 : f32 to vector<512x512xf32>
    %add3A_26 = arith.addf %add3A_25, %tanh3A : vector<512x512xf32>
    %mul3A_27 = arith.constant 5.000000e-01 : f32
    %mul3A_28 = vector.broadcast %mul3A_27 : f32 to vector<512x512xf32>
    %mul3A_29 = arith.mulf %mul3A_28, %add3A_26 : vector<512x512xf32>
    %mul3A_30 = arith.mulf %add3A_16, %mul3A_29 : vector<512x512xf32>
    %convert_element_type3A_31 = arith.truncf %mul3A_30 : vector<512x512xf32> to vector<512x512xbf16>
    %get3A_32 = arith.constant 0 : index
    %get3A_33 = arith.constant 0 : index
    %get3A_34 = arith.constant 0 : index
    %get3A_35 = vector.load %arg5[%get3A_32, %get3A_33, %get3A_34] : memref<1x512x1024xf32, #tpu.memory_space<vmem>>, vector<1x512x1024xf32>
    %get3A_36 = vector.shape_cast %get3A_35 : vector<1x512x1024xf32> to vector<512x1024xf32>
    %convert_element_type3A_37 = arith.truncf %get3A_36 : vector<512x1024xf32> to vector<512x1024xbf16>
    %dot_general3A_38 = arith.constant dense<0.000000e+00> : vector<512x1024xf32>
    %dot_general3A_39 = tpu.matmul %convert_element_type3A_31, %convert_element_type3A_37, %dot_general3A_38 {dimension_numbers = #tpu.dot_dimension_numbers<[1], [0], [0], [1], [0, 0, 1, 1], [], []>, transpose_lhs_hint = false} : vector<512x512xbf16>, vector<512x1024xbf16>, vector<512x1024xf32> -> vector<512x1024xf32>
    %eq3A = arith.constant 0 : i32
    %eq3A_40 = arith.cmpi eq, %arg1, %eq3A : i32
    %convert_element_type3A_41 = arith.extui %eq3A_40 : i1 to i32
    %cond3A = arith.constant 0 : i32
    %cond3A_42 = arith.cmpi ne, %convert_element_type3A_41, %cond3A : i32
    scf.if %cond3A_42 {
      %get3A_47 = arith.constant 0 : index
      %get3A_48 = arith.constant 0 : index
      %get3A_49 = arith.constant 0 : index
      %get3A_50 = vector.load %arg6[%get3A_47, %get3A_48, %get3A_49] : memref<1x1x1024xf32, #tpu.memory_space<vmem>>, vector<1x1x1024xf32>
      %get3A_51 = vector.shape_cast %get3A_50 : vector<1x1x1024xf32> to vector<1x1024xf32>
      %add3A_52 = vector.broadcast %get3A_51 : vector<1x1024xf32> to vector<512x1024xf32>
      %add3A_53 = arith.addf %dot_general3A_39, %add3A_52 : vector<512x1024xf32>
      %swap3A = arith.constant 0 : index
      %swap3A_54 = arith.constant 0 : index
      %swap3A_55 = arith.constant 0 : index
      %swap3A_56 = vector.load %arg7[%swap3A, %swap3A_54, %swap3A_55] : memref<1x512x1024xf32, #tpu.memory_space<vmem>>, vector<1x512x1024xf32>
      %swap3A_57 = vector.shape_cast %swap3A_56 : vector<1x512x1024xf32> to vector<512x1024xf32>
      %swap3A_58 = vector.shape_cast %add3A_53 : vector<512x1024xf32> to vector<1x512x1024xf32>
      tpu.vector_store %arg7[%swap3A, %swap3A_54, %swap3A_55], %swap3A_58 {strides = array<i32>} : memref<1x512x1024xf32, #tpu.memory_space<vmem>>, vector<1x512x1024xf32>,
    } else {
    }
    %gt3A = arith.constant 0 : i32
    %gt3A_43 = arith.cmpi sgt, %arg1, %gt3A : i32
    %convert_element_type3A_44 = arith.extui %gt3A_43 : i1 to i32
    %cond3A_45 = arith.constant 0 : i32
    %cond3A_46 = arith.cmpi ne, %convert_element_type3A_44, %cond3A_45 : i32
    scf.if %cond3A_46 {
      %get3A_47 = arith.constant 0 : index
      %get3A_48 = arith.constant 0 : index
      %get3A_49 = arith.constant 0 : index
      %get3A_50 = vector.load %arg7[%get3A_47, %get3A_48, %get3A_49] : memref<1x512x1024xf32, #tpu.memory_space<vmem>>, vector<1x512x1024xf32>
      %get3A_51 = vector.shape_cast %get3A_50 : vector<1x512x1024xf32> to vector<512x1024xf32>
      %add3A_52 = arith.addf %get3A_51, %dot_general3A_39 : vector<512x1024xf32>
      %swap3A = arith.constant 0 : index
      %swap3A_53 = arith.constant 0 : index
      %swap3A_54 = arith.constant 0 : index
      %swap3A_55 = vector.load %arg7[%swap3A, %swap3A_53, %swap3A_54] : memref<1x512x1024xf32, #tpu.memory_space<vmem>>, vector<1x512x1024xf32>
      %swap3A_56 = vector.shape_cast %swap3A_55 : vector<1x512x1024xf32> to vector<512x1024xf32>
      %swap3A_57 = vector.shape_cast %add3A_52 : vector<512x1024xf32> to vector<1x512x1024xf32>
      tpu.vector_store %arg7[%swap3A, %swap3A_53, %swap3A_54], %swap3A_57 {strides = array<i32>} : memref<1x512x1024xf32, #tpu.memory_space<vmem>>, vector<1x512x1024xf32>,
    } else {
    }
    return
  }
  func.func @transform_0(%arg0: i32, %arg1: i32) -> (i32, i32, i32) {
    %c0_i32 = arith.constant 0 : i32
    %c0_i32_0 = arith.constant 0 : i32
    %c0_i32_1 = arith.constant 0 : i32
    return %arg0, %c0_i32, %c0_i32_0 : i32, i32, i32
  }
  func.func @transform_1(%arg0: i32, %arg1: i32) -> (i32, i32, i32) {
    %c0_i32 = arith.constant 0 : i32
    %c0_i32_0 = arith.constant 0 : i32
    return %arg0, %c0_i32, %arg1 : i32, i32, i32
  }
  func.func @transform_2(%arg0: i32, %arg1: i32) -> (i32, i32, i32) {
    %c0_i32 = arith.constant 0 : i32
    %c0_i32_0 = arith.constant 0 : i32
    return %arg0, %c0_i32, %arg1 : i32, i32, i32
  }
  func.func @transform_3(%arg0: i32, %arg1: i32) -> (i32, i32, i32) {
    %c0_i32 = arith.constant 0 : i32
    %c0_i32_0 = arith.constant 0 : i32
    return %arg0, %arg1, %c0_i32 : i32, i32, i32
  }
  func.func @transform_4(%arg0: i32, %arg1: i32) -> (i32, i32, i32) {
    %c0_i32 = arith.constant 0 : i32
    %c0_i32_0 = arith.constant 0 : i32
    %c0_i32_1 = arith.constant 0 : i32
    return %arg0, %c0_i32, %c0_i32_0 : i32, i32, i32
  }
  func.func @transform_5(%arg0: i32, %arg1: i32) -> (i32, i32, i32) {
    %c0_i32 = arith.constant 0 : i32
    %c0_i32_0 = arith.constant 0 : i32
    %c0_i32_1 = arith.constant 0 : i32
    return %arg0, %c0_i32, %c0_i32_0 : i32, i32, i32
  }
}

</mosaic_0001>

<sc_bundles>
// kernel: kernel.12.cloned.1.call-start
scs
__scs_entry_jumppad:
0x0: {  	(pc) =	sbr.rel $0x88, $3  }
0x1: {  	(tag) =	ssettag $0x0;
	lr =	simm.s32 $0x1  }
0x2: {  	[smem:$0x3F93] =	sst lr;
	_ =	strace $0xD0000000  }
0x3: {  	_ = 	snop  }
0x4: {  	_ = 	snop  }
0x5: {  	_ = 	snop  }
0x6: {  	_ = 	snop  }
0x7: {  	_ = 	snop  }
__scs_overlays_trampoline_lowered:
0x8: {  	[smem:$0x3FA2] =	sst s0  }
0x9: {  	[smem:$0x3FA3] =	sst s1  }
0xa: {  	[smem:$0x3FA4] =	sst s2  }
0xb: {  	[smem:$0x3FA5] =	sst s3  }
0xc: {  	[smem:$0x3FA6] =	sst s4  }
0xd: {  	[smem:$0x3FA7] =	sst s5  }
0xe: {  	[smem:$0x3FA8] =	sst s6  }
0xf: {  	[smem:$0x3FA9] =	sst s7  }
0x10: {  	[smem:$0x3FAA] =	sst s8  }
0x11: {  	[smem:$0x3FAB] =	sst s9;
	s0 =	simm.s32 @!p0 $0x0  }
0x12: {  	s1 =	sld [smem:$0x3F91];
	s0 =	simm.s32 @p0 $0x1  }
0x13: {  	[smem:$0x3FAC] =	sst s0;
	s0 =	simm.s32 @!p1 $0x0  }
0x14: {  	s2 =	sld [smem:$0x3F90];
	s0 =	simm.s32 @p1 $0x1  }
0x15: {  	[smem:$0x3FAD] =	sst s0;
	s0 =	simm.s32 @!p2 $0x0  }
0x16: {  	s3 =	sld [smem:$0x3FDB];
	s0 =	simm.s32 @p2 $0x1  }
0x17: {  	s4 =	simm.s32 $0x1BF5;
	[smem:$0x3FAF] =	sst s0  }
0x18: {  	s0 =	sld [smem:$0x3F92];
	_ =	swait.ge [sflag:s4], $0x0  }
0x19: {  	s7 =	sld [smem:$0x3F93]  }
0x1a: {  	s8 =	sadd.s32 $0xFFFFE003, lr  }
0x1b: {  	s9 =	sadd.s32 $0xFFFFFEF7, lr;
	s5 =	simm.s32 $0xFFFFFFFF;
	p2 =	slt.u32 s8, $0xFFFFF086  }
0x1c: {  	p1 =	slt.u32 s9, $0xF7A;
	s5 =	simm.s32 @!p2 $0x0  }
0x1d: {  	s5 =	simm.s32 @p1 $0x1;
	p0 =	seq.s32 s7, s2  }
0x1e: {  	s7 =	smul.u32 @!p0 $0xF7A, s2;
	p2 =	seq.s32 @!p0 s5, $0x0  }
0x1f: {  	s9 =	smul.u32 $0xF7A, s1;
	s8 =	simm.s32 @!p0 $0x1BF5;
	p2 =	por !p2, p0  }
0x20: {  	[sflag:s8] =	ssyncset.s32 @!p0 $0xFFFFF086;
	s6 =	sadd.s32 @!p0 s3, s7;
	s7 =	simm.s32 @!p0 $0x108  }
0x21: {  	s3 =	sadd.s32 s3, s9;
	s6 =	sadd.s32 @!p0 $0x88, s6;
	s7 =	simm.s32 @p2 $0x1082  }
0x22: {  	[simem:s7], [sflag:s8] =	dma.local @!p0 [hbm:s6], $0xF7A  }
0x23: {  	s9 =	sor.u32 $0xD0000000, s2;
	s6 =	simm.s32 $0x108;
	_ =	swait.ge @!p0 [sflag:s8], $0x0  }
0x24: {  	s3 =	sadd.s32 $0x88, s3;
	s6 =	simm.s32 @!p1 $0x1082;
	[sflag:s4] =	ssyncset.s32 $0xFFFFF086  }
0x25: {  	[simem:s6], [sflag:s4] =	dma.local [hbm:s3], $0xF7A  }
0x26: {  	[smem:$0x3F93] =	sst s1;
	(tag) =	ssettag s2;
	_ =	strace s9  }
0x27: {  	s1 =	sld [smem:$0x3FA3]  }
0x28: {  	s2 =	sld [smem:$0x3FA4]  }
0x29: {  	s4 =	sld [smem:$0x3FA6]  }
0x2a: {  	p0 =	seq.s32 s5, $0x0;
	s5 =	sld [smem:$0x3FA7]  }
0x2b: {  	s6 =	sld [smem:$0x3FA8]  }
0x2c: {  	s7 =	sld [smem:$0x3FA9]  }
0x2d: {  	s3 =	simm.s32 $0x108;
	s8 =	sld [smem:$0x3FAA]  }
0x2e: {  	s3 =	simm.s32 @!p0 $0x1082;
	s9 =	sld [smem:$0x3FAB]  }
0x2f: {  	lr =	sadd.s32 s0, s3;
	s0 =	sld [smem:$0x3FA2]  }
0x30: {  	s3 =	sld [smem:$0x3FA5]  }
0x31: {  	[smem:$0x3FAE] =	sst s10  }
0x32: {  	s10 =	sld [smem:$0x3FAC];
	_ =	sdelay $0x3  }
0x33: {  	p0 =	seq.s32 s10, $0x1;
	s10 =	sld [smem:$0x3FAE];
	_ =	sdelay $0x3  }
0x34: {  	[smem:$0x3FAE] =	sst s10  }
0x35: {  	s10 =	sld [smem:$0x3FAD];
	_ =	sdelay $0x3  }
0x36: {  	p1 =	seq.s32 s10, $0x1;
	s10 =	sld [smem:$0x3FAE];
	_ =	sdelay $0x3  }
0x37: {  	[smem:$0x3FAE] =	sst s10  }
0x38: {  	s10 =	sld [smem:$0x3FAF]  }
0x39: {  	_ = 	snop;
	(pc) =	sbr.ind lr, $3  }
0x3a: {  	_ = 	snop  }
0x3b: {  	_ = 	snop  }
0x3c: {  	p2 =	seq.s32 s10, $0x1;
	s10 =	sld [smem:$0x3FAE]  }
0x3d: {  	_ =	shalt  }
0x3e: {  	_ =	shalt  }
0x3f: {  	_ =	shalt  }
0x40: {  	_ =	shalt  }
0x41: {  	_ =	shalt  }
0x42: {  	_ =	shalt  }
0x43: {  	_ =	shalt  }
0x44: {  	_ =	shalt  }
0x45: {  	_ =	shalt  }
0x46: {  	_ =	shalt  }
0x47: {  	_ =	shalt  }
0x48: {  	_ =	shalt  }
0x49: {  	_ =	shalt  }
0x4a: {  	_ =	shalt  }
0x4b: {  	_ =	shalt  }
0x4c: {  	_ =	shalt  }
0x4d: {  	_ =	shalt  }
0x4e: {  	_ =	shalt  }
0x4f: {  	_ =	shalt  }
0x50: {  	_ =	shalt  }
0x51: {  	_ =	shalt  }
0x52: {  	_ =	shalt  }
0x53: {  	_ =	shalt  }
0x54: {  	_ =	shalt  }
0x55: {  	_ =	shalt  }
0x56: {  	_ =	shalt  }
0x57: {  	_ =	shalt  }
0x58: {  	_ =	shalt  }
0x59: {  	_ =	shalt  }
0x5a: {  	_ =	shalt  }
0x5b: {  	_ =	shalt  }
0x5c: {  	_ =	shalt  }
0x5d: {  	_ =	shalt  }
0x5e: {  	_ =	shalt  }
0x5f: {  	_ =	shalt  }
0x60: {  	_ =	shalt  }
0x61: {  	_ =	shalt  }
0x62: {  	_ =	shalt  }
0x63: {  	_ =	shalt  }
0x64: {  	_ =	shalt  }
0x65: {  	_ =	shalt  }
0x66: {  	_ =	shalt  }
0x67: {  	_ =	shalt  }
0x68: {  	_ =	shalt  }
0x69: {  	_ =	shalt  }
0x6a: {  	_ =	shalt  }
0x6b: {  	_ =	shalt  }
0x6c: {  	_ =	shalt  }
0x6d: {  	_ =	shalt  }
0x6e: {  	_ =	shalt  }
0x6f: {  	_ =	shalt  }
0x70: {  	_ =	shalt  }
0x71: {  	_ =	shalt  }
0x72: {  	_ =	shalt  }
0x73: {  	_ =	shalt  }
0x74: {  	_ =	shalt  }
0x75: {  	_ =	shalt  }
0x76: {  	_ =	shalt  }
0x77: {  	_ =	shalt  }
0x78: {  	_ =	shalt  }
0x79: {  	_ =	shalt  }
0x7a: {  	_ =	shalt  }
0x7b: {  	_ =	shalt  }
0x7c: {  	_ =	shalt  }
0x7d: {  	_ =	shalt  }
0x7e: {  	_ =	shalt  }
0x7f: {  	_ =	shalt  }
0x80: {  	_ =	shalt  }
0x81: {  	_ =	shalt  }
0x82: {  	_ =	shalt  }
0x83: {  	_ =	shalt  }
0x84: {  	_ =	shalt  }
0x85: {  	_ =	shalt  }
0x86: {  	_ =	shalt  }
0x87: {  	_ =	shalt  }
.Lfunc_end0:
.L_simem_size_0:
called_computation.1_lowered:
.L_overlay_start_0:
0x88: {  	s2 =	sld [smem:$0x3FD9]  }
0x89: {  	s3 =	sld [smem:$0x3FFE];
	_ =	sdelay $0x1  }
0x8a: {  	s1 =	srdreg.scid  }
0x8b: {  	s0 =	sand.u32 $0x1, s1  }
0x8c: {  	s17 =	sshll.u32 s0, $0xA;
	s2 =	sadd.s32 s3, s2  }
0x8d: {  	s2 =	sadd.s32 s2, s17  }
0x8e: {  	[smem:$0x3FBA] =	sst s2  }
0x8f: {  	_ = 	snop  }
0x90: {  	s2 =	sld [smem:$0x3FD0];
	(tm) =	ssettm $0x1  }
0x91: {  	s18 =	sld [smem:$0x3FFB];
	_ =	sdelay $0x3  }
0x92: {  	_ =	strace s18  }
0x93: {  	s3 =	sld [smem:$0x3FFC];
	_ =	sdelay $0x3  }
0x94: {  	_ =	strace s3  }
0x95: {  	s3 =	sld [smem:$0x3FFD];
	_ =	sdelay $0x3  }
0x96: {  	_ =	strace s3  }
0x97: {  	_ =	strace $0x8FFFFFFF  }
0x98: {  	s19 =	sld [smem:$0x3FDB];
	_ =	sdelay $0x1  }
0x99: {  	s4 =	simm.s32 $_scs_section_size  }
0x9a: {  	s5 =	simm.s32 $_size__tile_overlayer_lowered;
	s6 =	simm.s32 $_tile_overlayer_lowered  }
0x9b: {  	s22 =	simm.s32 $0x1BFF;
	s21 =	sshll.u32 s6, $0x1;
	s3 =	sadd.s32 s4, s19  }
0x9c: {  	s7 =	simm.s32 $0x0;
	s20 =	sshll.u32 s5, $0x1;
	s5 =	sadd.s32 s21, s3  }
0x9d: {  	[timem:s7], [sflag:s22] =	dma.local [hbm:s5], s20  }
0x9e: {  	_ =	swait.ge [sflag:s22], s20  }
0x9f: {  	s4 =	ssub.s32 $0x0, s20;
	[sflag:s22] =	ssyncset.done $0x0  }
0xa0: {  	[sflag:s22] =	ssyncadd.s32 s4;
	_ =	sdelay $0x1  }
0xa1: {  	s23 =	simm.s32 $0x1B8B  }
0xa2: {  	_ =	swait.ge [sflag:s23], $0x1  }
0xa3: {  	[sflag:s23] =	ssyncset.done $0x0  }
0xa4: {  	s25 =	simm.s32 $0x1B8E;
	s24 =	sld [smem:$0x3FFE];
	[sflag:s23] =	ssyncadd.s32 $0xFFFFFFFF  }
0xa5: {  	s26 =	simm.s32 $execute0_lowered;
	[smem:$0x3FD2] =	sst s25  }
0xa6: {  	s5 =	sshll.u32 s26, $0x1;
	_ =	strace $0x80000049;
	[dreg:$0x1] =	wrdreg $0xFFFFFFFF  }
0xa7: {  	s28 =	simm.s32 $_size_execute0_lowered;
	s3 =	sadd.s32 s3, s5;
	[dreg:$0x0] =	wrdreg $0x0  }
0xa8: {  	s5 =	sshll.u32 s28, $0x1;
	[dreg:$0x2] =	wrdreg s3  }
0xa9: {  	[dreg:$0x3] =	wrdreg s5  }
0xaa: {  	[dreg:$0x4] =	wrdreg $0xC0  }
0xab: {  	_ =	task [dreg:s7], $0x5FFFF  }
0xac: {  	[dreg:$0x1] =	wrdreg $0xFFFFFFFF  }
0xad: {  	[dreg:$0x0] =	wrdreg $0x60  }
0xae: {  	[dreg:$0x2] =	wrdreg s24  }
0xaf: {  	[dreg:$0x3] =	wrdreg s2  }
0xb0: {  	[dreg:$0x4] =	wrdreg $0x9  }
0xb1: {  	_ =	task.clear_ibuf [dreg:s7], $0x5FFFF;
	_ =	strace $0x90000049  }
0xb2: {  	s29 =	simm.s32 $0x9;
	_ =	strace $0x8000004B  }
0xb3: {  	_ =	swait.ge [sflag:s29], $0x1  }
0xb4: {  	[sflag:s29] =	ssyncadd.s32 $0xFFFFFFFF  }
0xb5: {  	_ =	strace $0x9000004B  }
0xb6: {  	_ =	sfence  }
0xb7: {  	s30 =	sld [smem:$0x0];
	_ =	sdelay $0x2  }
0xb8: {  	s31 =	sshll.u32 s1, $0xD;
	s1 =	sshrl.u32 s1, $0x2  }
0xb9: {  	s3 =	sand.u32 $0x4000, s31;
	s1 =	sadd.s32 s1, s30  }
0xba: {  	s0 =	sor.u32 s3, s0;
	s1 =	sshll.u32 s1, $0x11  }
0xbb: {  	s0 =	sor.u32 s1, s0  }
0xbc: {  	s0 =	sadd.s32 $0x8F2B, s0  }
0xbd: {  	[sflag:s0] =	ssyncadd.remote.s32 $0x1  }
0xbe: {  	_ =	sfence.sel $0xFFFF  }
0xbf: {  	[dreg:$0x0] =	wrdreg $0xFFFFFFFF;
	(pc) =	sbr.abs _section_cstart, $3  }
0xc0: {  	[dreg:$0x1] =	wrdreg $0xFFFFFFFF  }
0xc1: {  	_ =	task.clear_ibuf [dreg:s7], $0x2FFFF;
	_ =	strace $0x9FFFFFFF  }
0xc2: {  	(tm) =	ssettm $0x7FFFFFFF  }
0xc3: {  	_ =	shalt  }
tec
execute0_lowered:
.L_overlay_start_1:
0x0: {  	(tag) =	ssettag $0x1  }
0x1: {  	s0 =	rddreg [dreg:$0x0]  }
0x2: {  	s1 =	rddreg [dreg:$0x1];
	s2 =	simm.s32 $0x0;
	s3 =	srdreg.scid  }
0x3: {  	s5 =	stileid.u32;
	s16 =	simm.s32 $0x3;
	s11 =	simm.s32 $0xE100  }
0x4: {  	s12 =	simm.s32 $0xE900;
	s13 =	simm.s32 $0xF100;
	s14 =	simm.s32 $0x10100  }
0x5: {  	s15 =	simm.s32 $0x11100;
	s28 =	simm.s32 $0x14100;
	s29 =	simm.s32 $0x1  }
0x6: {  	s30 =	simm.s32 $0x2;
	s31 =	simm.s32 $0x0;
	[smem:$0x7FF] =	sst s2  }
0x7: {  	s4 =	sand.u32 $0x1, s3;
	s3 =	sadd.s32 $0x9BC00, s0;
	s5 =	sshll.u32 s5, $0x7  }
0x8: {  	s7 =	sadd.s32 $0x4B600, s0;
	s6 =	sshll.u32 s4, $0x6;
	s4 =	ssub.s32 $0x2, s4  }
0x9: {  	s10 =	sadd.s32 $0x9BF00, s0;
	s5 =	sor.u32 s6, s5;
	s9 =	sshrl.u32 s4, $0x1  }
0xa: {  	s6 =	sshrl.u32 s5, $0x3;
	s8 =	sshll.u32 s5, $0x4;
	s5 =	sshll.u32 s5, $0x7  }
0xb: {  	_ =	strace $0x8000004A;
	s4 =	ssub.s32 s4, s9;
	s24 =	sadd.s32 s7, s5  }
0xc: {  	s23 =	sor.u32 $0x1000, s5;
	s5 =	sadd.s32 s1, s5;
	[dreg:$0x7] =	wrdreg s24  }
0xd: {  	s6 =	sadd.s32 s6, s0;
	s26 =	smax.u32 s4, $0x1;
	[dreg:$0x8] =	wrdreg s5  }
0xe: {  	s9 =	sadd.s32 $0x9BE00, s0;
	s20 =	sadd.s32 $0x9B800, s6;
	[dreg:$0xb] =	wrdreg s26  }
0xf: {  	s8 =	sadd.s32 s8, s0;
	s6 =	sadd.s32 $0x9BA00, s6;
	[dreg:$0x3] =	wrdreg s20  }
0x10: {  	s21 =	sadd.s32 $0x8B800, s8;
	s22 =	sadd.s32 $0x93800, s8;
	[dreg:$0x4] =	wrdreg s6  }
0x11: {  	s8 =	sadd.s32 $0x9BD00, s0;
	s25 =	sadd.s32 s7, s23;
	[dreg:$0x5] =	wrdreg s21  }
0x12: {  	s0 =	sadd.s32 s1, s23;
	s7 =	simm.s32 $0xD900;
	[dreg:$0x6] =	wrdreg s22  }
0x13: {  	v2 =	vlaneseq.u32;
	s23 =	simm.s32 $0x12100;
	s24 =	simm.s32 $0x12900;
	[dreg:$0x9] =	wrdreg s25  }
0x14: {  	vm0 =	vmmov $0xffff;
	v1 =	vshrl.u32 v2, $0x3;
	s26 =	simm.s32 $0x13900;
	[dreg:$0xa] =	wrdreg s0;
	s20 =	simm.s32 $0xF900  }
0x15: {  	v0 =	vand.u32 $0x7, v2;
	v2 =	vor.u32 $0x8, v2;
	v1 =	vmul.u32 $0x8, v1;
	s21 =	simm.s32 $0x10900;
	s22 =	simm.s32 $0x11900;
	s25 =	simm.s32 $0x13100  }
.LBB2_1:
0x16: {  	s0 =	rddreg [dreg:$0x3]  }
0x17: {  	[tilespmem:s2], [sflag:$0x3] =	stream.linear.gather [hbm4b:s0+s2], $0x40, $0x38;
	[tilespmem:$0x1C100] =	vst v63  }
0x18: {  	_ =	swait.ge [sflag:s16], $0x40  }
0x19: {  	[sflag:s16] =	ssyncset.done $0x0  }
0x1a: {  	s1 =	simm.s32 $0x80;
	s5 =	rddreg [dreg:$0x4];
	[sflag:s16] =	ssyncadd.s32 $0xFFFFFFC0  }
0x1b: {  	[tilespmem:s1], [sflag:$0x3] =	stream.linear.gather [hbm4b:s5+s2], $0x40, $0x38;
	[tilespmem:$0x1C100] =	vst v63  }
0x1c: {  	_ =	swait.ge [sflag:s16], $0x40  }
0x1d: {  	[sflag:s16] =	ssyncset.done $0x0  }
0x1e: {  	s17 =	simm.s32 $0x100;
	s6 =	rddreg [dreg:$0x5];
	[sflag:s16] =	ssyncadd.s32 $0xFFFFFFC0  }
0x1f: {  	[tilespmem:s17], [sflag:$0x3] =	stream.linear.gather [hbm4b:s6+s2], $0x2000, $0x38;
	[tilespmem:$0x1C100] =	vst v63  }
0x20: {  	_ =	swait.ge [sflag:s16], $0x2000  }
0x21: {  	[sflag:s16] =	ssyncset.done $0x0  }
0x22: {  	s19 =	simm.s32 $0x2100;
	s18 =	rddreg [dreg:$0x6];
	[sflag:s16] =	ssyncadd.s32 $0xFFFFE000  }
0x23: {  	[tilespmem:s19], [sflag:$0x3] =	stream.linear.gather [hbm4b:s18+s2], $0x2000, $0x38;
	[tilespmem:$0x1C100] =	vst v63  }
0x24: {  	_ =	swait.ge [sflag:s16], $0x2000  }
0x25: {  	[sflag:s16] =	ssyncset.done $0x0  }
0x26: {  	[sflag:s16] =	ssyncadd.s32 $0xFFFFE000  }
0x27: {  	v3 =	vld [tilespmem:$0x0];
	_ =	sdelay $0x4  }
0x28: {  	v4 =	vshll.u32 v3, $0x3  }
0x29: {  	v3 =	vand.u32 $0x7, v3;
	v4 =	vand.u32 $0xFFFFFFC0, v4  }
0x2a: {  	v3 =	vor.u32 v3, v4  }
0x2b: {  	v4 =	vperm.xlane v3, v0;
	_ =	sdelay $0x1  }
0x2c: {  	v4 =	vadd.s32 v1, v4;
	_ =	sdelay $0x3  }
0x2d: {  	s4 =	simm.s32 $0x4100  }
0x2e: {  	[tilespmem:s4], [sflag:$0x1] =	stream.indirect_vreg.gather [hbm4b:s3+s2], $0x80, v4, vm0, $0xb8;
	[tilespmem:$0x1C100] =	vst v63  }
0x2f: {  	s5 =	simm.s32 $0x4900;
	v3 =	vperm.xlane v3, v2  }
0x30: {  	[tilespmem:s5], [sflag:$0x1] =	stream.indirect_vreg.gather [hbm4b:s8+s2], $0x80, v4, vm0, $0xb8;
	[tilespmem:$0x1C100] =	vst v63  }
0x31: {  	s6 =	simm.s32 $0x5100;
	v3 =	vadd.s32 v1, v3  }
0x32: {  	[tilespmem:s6], [sflag:$0x1] =	stream.indirect_vreg.gather [hbm4b:s9+s2], $0x80, v4, vm0, $0xb8;
	[tilespmem:$0x1C100] =	vst v63  }
0x33: {  	s17 =	simm.s32 $0x5900  }
0x34: {  	[tilespmem:s17], [sflag:$0x1] =	stream.indirect_vreg.gather [hbm4b:s10+s2], $0x80, v4, vm0, $0xb8;
	[tilespmem:$0x1C100] =	vst v63  }
0x35: {  	s18 =	simm.s32 $0x6100  }
0x36: {  	[tilespmem:s18], [sflag:$0x1] =	stream.indirect_vreg.gather [hbm4b:s3+s2], $0x80, v3, vm0, $0xb8;
	[tilespmem:$0x1C100] =	vst v63  }
0x37: {  	s19 =	simm.s32 $0x6900  }
0x38: {  	[tilespmem:s19], [sflag:$0x1] =	stream.indirect_vreg.gather [hbm4b:s8+s2], $0x80, v3, vm0, $0xb8;
	[tilespmem:$0x1C100] =	vst v63  }
0x39: {  	s1 =	simm.s32 $0x7100  }
0x3a: {  	[tilespmem:s1], [sflag:$0x1] =	stream.indirect_vreg.gather [hbm4b:s9+s2], $0x80, v3, vm0, $0xb8;
	[tilespmem:$0x1C100] =	vst v63  }
0x3b: {  	s4 =	simm.s32 $0x7900  }
0x3c: {  	[tilespmem:s4], [sflag:$0x1] =	stream.indirect_vreg.gather [hbm4b:s10+s2], $0x80, v3, vm0, $0xb8;
	[tilespmem:$0x1C100] =	vst v63  }
0x3d: {  	v3 =	vld [tilespmem:$0x10];
	_ =	sdelay $0x4  }
0x3e: {  	v61 =	vshll.u32 v3, $0x3  }
0x3f: {  	v3 =	vand.u32 $0x7, v3;
	v4 =	vand.u32 $0xFFFFFFC0, v61  }
0x40: {  	v3 =	vor.u32 v3, v4  }
0x41: {  	v4 =	vperm.xlane v3, v0;
	_ =	sdelay $0x1  }
0x42: {  	v4 =	vadd.s32 v1, v4;
	_ =	sdelay $0x3  }
0x43: {  	s5 =	simm.s32 $0x8100  }
0x44: {  	[tilespmem:s5], [sflag:$0x1] =	stream.indirect_vreg.gather [hbm4b:s3+s2], $0x80, v4, vm0, $0xb8;
	[tilespmem:$0x1C100] =	vst v63  }
0x45: {  	s6 =	simm.s32 $0x8900;
	v3 =	vperm.xlane v3, v2  }
0x46: {  	[tilespmem:s6], [sflag:$0x1] =	stream.indirect_vreg.gather [hbm4b:s8+s2], $0x80, v4, vm0, $0xb8;
	[tilespmem:$0x1C100] =	vst v63  }
0x47: {  	s17 =	simm.s32 $0x9100;
	v3 =	vadd.s32 v1, v3  }
0x48: {  	[tilespmem:s17], [sflag:$0x1] =	stream.indirect_vreg.gather [hbm4b:s9+s2], $0x80, v4, vm0, $0xb8;
	[tilespmem:$0x1C100] =	vst v63  }
0x49: {  	s18 =	simm.s32 $0x9900  }
0x4a: {  	[tilespmem:s18], [sflag:$0x1] =	stream.indirect_vreg.gather [hbm4b:s10+s2], $0x80, v4, vm0, $0xb8;
	[tilespmem:$0x1C100] =	vst v63  }
0x4b: {  	s19 =	simm.s32 $0xA100  }
0x4c: {  	[tilespmem:s19], [sflag:$0x1] =	stream.indirect_vreg.gather [hbm4b:s3+s2], $0x80, v3, vm0, $0xb8;
	[tilespmem:$0x1C100] =	vst v63  }
0x4d: {  	s1 =	simm.s32 $0xA900  }
0x4e: {  	[tilespmem:s1], [sflag:$0x1] =	stream.indirect_vreg.gather [hbm4b:s8+s2], $0x80, v3, vm0, $0xb8;
	[tilespmem:$0x1C100] =	vst v63  }
0x4f: {  	s4 =	simm.s32 $0xB100  }
0x50: {  	[tilespmem:s4], [sflag:$0x1] =	stream.indirect_vreg.gather [hbm4b:s9+s2], $0x80, v3, vm0, $0xb8;
	[tilespmem:$0x1C100] =	vst v63  }
0x51: {  	s5 =	simm.s32 $0xB900  }
0x52: {  	[tilespmem:s5], [sflag:$0x1] =	stream.indirect_vreg.gather [hbm4b:s10+s2], $0x80, v3, vm0, $0xb8;
	[tilespmem:$0x1C100] =	vst v63  }
0x53: {  	v3 =	vld [tilespmem:$0x80];
	_ =	sdelay $0x4  }
0x54: {  	v62 =	vshll.u32 v3, $0x3  }
0x55: {  	v3 =	vand.u32 $0x7, v3;
	v4 =	vand.u32 $0xFFFFFFC0, v62  }
0x56: {  	v3 =	vor.u32 v3, v4  }
0x57: {  	v4 =	vperm.xlane v3, v0;
	_ =	sdelay $0x1  }
0x58: {  	v4 =	vadd.s32 v1, v4;
	_ =	sdelay $0x3  }
0x59: {  	s6 =	simm.s32 $0xC100  }
0x5a: {  	[tilespmem:s6], [sflag:$0x2] =	stream.indirect_vreg.gather [hbm4b:s3+s2], $0x80, v4, vm0, $0xb8;
	[tilespmem:$0x1C100] =	vst v63  }
0x5b: {  	s17 =	simm.s32 $0xC900;
	v3 =	vperm.xlane v3, v2  }
0x5c: {  	[tilespmem:s17], [sflag:$0x2] =	stream.indirect_vreg.gather [hbm4b:s8+s2], $0x80, v4, vm0, $0xb8;
	[tilespmem:$0x1C100] =	vst v63  }
0x5d: {  	s18 =	simm.s32 $0xD100;
	v3 =	vadd.s32 v1, v3  }
0x5e: {  	[tilespmem:s18], [sflag:$0x2] =	stream.indirect_vreg.gather [hbm4b:s9+s2], $0x80, v4, vm0, $0xb8;
	[tilespmem:$0x1C100] =	vst v63  }
0x5f: {  	_ = 	snop  }
0x60: {  	[tilespmem:s7], [sflag:$0x2] =	stream.indirect_vreg.gather [hbm4b:s10+s2], $0x80, v4, vm0, $0xb8;
	[tilespmem:$0x1C100] =	vst v63  }
0x61: {  	_ = 	snop  }
0x62: {  	[tilespmem:s11], [sflag:$0x2] =	stream.indirect_vreg.gather [hbm4b:s3+s2], $0x80, v3, vm0, $0xb8;
	[tilespmem:$0x1C100] =	vst v63  }
0x63: {  	_ = 	snop  }
0x64: {  	[tilespmem:s12], [sflag:$0x2] =	stream.indirect_vreg.gather [hbm4b:s8+s2], $0x80, v3, vm0, $0xb8;
	[tilespmem:$0x1C100] =	vst v63  }
0x65: {  	_ = 	snop  }
0x66: {  	[tilespmem:s13], [sflag:$0x2] =	stream.indirect_vreg.gather [hbm4b:s9+s2], $0x80, v3, vm0, $0xb8;
	[tilespmem:$0x1C100] =	vst v63  }
0x67: {  	_ = 	snop  }
0x68: {  	[tilespmem:s20], [sflag:$0x2] =	stream.indirect_vreg.gather [hbm4b:s10+s2], $0x80, v3, vm0, $0xb8;
	[tilespmem:$0x1C100] =	vst v63  }
0x69: {  	v3 =	vld [tilespmem:$0x90];
	_ =	sdelay $0x4  }
0x6a: {  	v63 =	vshll.u32 v3, $0x3  }
0x6b: {  	v3 =	vand.u32 $0x7, v3;
	v4 =	vand.u32 $0xFFFFFFC0, v63  }
0x6c: {  	v3 =	vor.u32 v3, v4  }
0x6d: {  	v4 =	vperm.xlane v3, v0;
	_ =	sdelay $0x1  }
0x6e: {  	v4 =	vadd.s32 v1, v4;
	_ =	sdelay $0x4  }
0x6f: {  	[tilespmem:s14], [sflag:$0x2] =	stream.indirect_vreg.gather [hbm4b:s3+s2], $0x80, v4, vm0, $0xb8;
	[tilespmem:$0x1C100] =	vst v63  }
0x70: {  	v3 =	vperm.xlane v3, v2  }
0x71: {  	[tilespmem:s21], [sflag:$0x2] =	stream.indirect_vreg.gather [hbm4b:s8+s2], $0x80, v4, vm0, $0xb8;
	[tilespmem:$0x1C100] =	vst v63  }
0x72: {  	v3 =	vadd.s32 v1, v3  }
0x73: {  	[tilespmem:s15], [sflag:$0x2] =	stream.indirect_vreg.gather [hbm4b:s9+s2], $0x80, v4, vm0, $0xb8;
	[tilespmem:$0x1C100] =	vst v63  }
0x74: {  	_ = 	snop  }
0x75: {  	[tilespmem:s22], [sflag:$0x2] =	stream.indirect_vreg.gather [hbm4b:s10+s2], $0x80, v4, vm0, $0xb8;
	[tilespmem:$0x1C100] =	vst v63  }
0x76: {  	_ = 	snop  }
0x77: {  	[tilespmem:s23], [sflag:$0x2] =	stream.indirect_vreg.gather [hbm4b:s3+s2], $0x80, v3, vm0, $0xb8;
	[tilespmem:$0x1C100] =	vst v63  }
0x78: {  	_ = 	snop  }
0x79: {  	[tilespmem:s24], [sflag:$0x2] =	stream.indirect_vreg.gather [hbm4b:s8+s2], $0x80, v3, vm0, $0xb8;
	[tilespmem:$0x1C100] =	vst v63  }
0x7a: {  	_ = 	snop  }
0x7b: {  	[tilespmem:s25], [sflag:$0x2] =	stream.indirect_vreg.gather [hbm4b:s9+s2], $0x80, v3, vm0, $0xb8;
	[tilespmem:$0x1C100] =	vst v63  }
0x7c: {  	_ = 	snop  }
0x7d: {  	[tilespmem:s26], [sflag:$0x2] =	stream.indirect_vreg.gather [hbm4b:s10+s2], $0x80, v3, vm0, $0xb8;
	[tilespmem:$0x1C100] =	vst v63  }
0x7e: {  	s19 =	rddreg [dreg:$0x7]  }
0x7f: {  	[tilespmem:s28], [sflag:$0x3] =	stream.linear.gather [hbm4b:s19+s2], $0x8000, $0x38;
	[tilespmem:$0x1C100] =	vst v63  }
0x80: {  	_ =	swait.ge [sflag:s16], $0x8000  }
0x81: {  	[sflag:s16] =	ssyncset.done $0x0  }
0x82: {  	[sflag:s16] =	ssyncadd.s32 $0xFFFF8000  }
0x83: {  	_ =	swait.ge [sflag:s29], $0x8000  }
0x84: {  	[sflag:s29] =	ssyncset.done $0x0  }
0x85: {  	[sflag:s29] =	ssyncadd.s32 $0xFFFF8000  }
0x86: {  	_ =	swait.ge [sflag:s30], $0x8000  }
0x87: {  	[sflag:s30] =	ssyncset.done $0x0  }
0x88: {  	s0 =	simm.s32 $0x0;
	[sflag:s30] =	ssyncadd.s32 $0xFFFF8000  }
.LBB2_2:
0x89: {  	s4 =	sshll.u32 s0, $0x7;
	s1 =	sshll.u32 s0, $0xA  }
0x8a: {  	s6 =	simm.s32 $0x0;
	s1 =	sand.u32 $0x6000, s1;
	s5 =	sand.u32 $0x380, s4  }
0x8b: {  	s19 =	sand.u32 $0x1C00, s6;
	s1 =	sor.u32 s1, s5  }
0x8c: {  	v3 =	vld [tilespmem:s4+$0x100];
	s6 =	sand.u32 $0x70, s6;
	s5 =	sor.u32 s19, s1  }
0x8d: {  	v4 =	vld [tilespmem:s4+$0x2100];
	s17 =	sor.u32 s6, s5  }
0x8e: {  	v5 =	vld [tilespmem:s17+$0x4100]  }
0x8f: {  	v6 =	vld [tilespmem:s17+$0xC100]  }
0x90: {  	v7 =	vld [tilespmem:s17+$0x14100];
	_ =	sdelay $0x2  }
0x91: {  	v5 =	vmul.f32 v5, v3  }
0x92: {  	s18 =	simm.s32 $0x80  }
0x93: {  	s4 =	simm.s32 $0x10;
	s19 =	simm.s32 $0x20;
	s5 =	sand.u32 $0x1C00, s18;
	v6 =	vmul.f32 v6, v4;
	v5 =	vadd.f32 v5, v7  }
.LBB2_3:
0x94: {  	p0 =	sne.s32 s19, $0x3F0;
	s4 =	sand.u32 $0x70, s4;
	s5 =	sor.u32 s5, s1  }
0x95: {  	s5 =	sor.u32 s4, s5;
	v5 =	vadd.f32 v6, v5;
	s4 =	smov.u32 s19  }
0x96: {  	v6 =	vld [tilespmem:s5+$0x4100]  }
0x97: {  	v7 =	vld [tilespmem:s5+$0xC100];
	[tilespmem:s17+$0x14100] =	vst v5;
	s17 =	smov.u32 s5  }
0x98: {  	v5 =	vld [tilespmem:s17+$0x14100]  }
.Ltmp0:
0x99: {  	(pc) =	sbr.rel @p0 .LBB2_3-.Ltmp0, $4  }
0x9a: {  	_ = 	snop  }
0x9b: {  	v6 =	vmul.f32 v6, v3  }
0x9c: {  	s18 =	sadd.s32 $0x80, s18  }
0x9d: {  	s19 =	sadd.s32 $0x10, s19;
	s5 =	sand.u32 $0x1C00, s18;
	v5 =	vadd.f32 v6, v5;
	v6 =	vmul.f32 v7, v4  }
0x9e: {  	s4 =	sand.u32 $0x70, s4;
	s1 =	sor.u32 s5, s1  }
0x9f: {  	s1 =	sor.u32 s4, s1;
	v5 =	vadd.f32 v6, v5  }
0xa0: {  	v63 =	vld [tilespmem:s1+$0x4100]  }
0xa1: {  	v7 =	vld [tilespmem:s1+$0xC100];
	[tilespmem:s17+$0x14100] =	vst v5  }
0xa2: {  	v5 =	vld [tilespmem:s1+$0x14100];
	_ =	sdelay $0x2  }
0xa3: {  	s0 =	sadd.s32 $0x1, s0;
	v3 =	vmul.f32 v63, v3  }
0xa4: {  	p0 =	sne.s32 s0, $0x20  }
.Ltmp1:
0xa5: {  	v4 =	vmul.f32 v7, v4;
	v3 =	vadd.f32 v3, v5;
	(pc) =	sbr.rel @p0 .LBB2_2-.Ltmp1, $3  }
0xa6: {  	_ = 	snop  }
0xa7: {  	v3 =	vadd.f32 v4, v3;
	_ =	sdelay $0x1  }
0xa8: {  	[tilespmem:s1+$0x14100] =	vst v3  }
0xa9: {  	s0 =	simm.s32 $0x0;
	s1 =	rddreg [dreg:$0x8]  }
0xaa: {  	[hbm4b:s1+s0] =	stream.linear.scatter [tilespmem:s28], [sflag:$0x3], $0x8000, $0x38;
	[tilespmem:$0x1C100] =	vst v63  }
0xab: {  	_ =	swait.ge [sflag:s16], $0x8000  }
0xac: {  	[sflag:s16] =	ssyncset.done $0x0  }
0xad: {  	[sflag:s16] =	ssyncadd.s32 $0xFFFF8000  }
0xae: {  	v3 =	vld [tilespmem:$0x20];
	_ =	sdelay $0x4  }
0xaf: {  	v4 =	vshll.u32 v3, $0x3  }
0xb0: {  	v3 =	vand.u32 $0x7, v3;
	v4 =	vand.u32 $0xFFFFFFC0, v4  }
0xb1: {  	v3 =	vor.u32 v3, v4  }
0xb2: {  	v4 =	vperm.xlane v3, v0;
	_ =	sdelay $0x1  }
0xb3: {  	v4 =	vadd.s32 v1, v4;
	_ =	sdelay $0x3  }
0xb4: {  	s18 =	simm.s32 $0x4100  }
0xb5: {  	[tilespmem:s18], [sflag:$0x1] =	stream.indirect_vreg.gather [hbm4b:s3+s0], $0x80, v4, vm0, $0xb8;
	[tilespmem:$0x1C100] =	vst v63  }
0xb6: {  	s19 =	simm.s32 $0x4900;
	v3 =	vperm.xlane v3, v2  }
0xb7: {  	[tilespmem:s19], [sflag:$0x1] =	stream.indirect_vreg.gather [hbm4b:s8+s0], $0x80, v4, vm0, $0xb8;
	[tilespmem:$0x1C100] =	vst v63  }
0xb8: {  	s4 =	simm.s32 $0x5100;
	v3 =	vadd.s32 v1, v3  }
0xb9: {  	[tilespmem:s4], [sflag:$0x1] =	stream.indirect_vreg.gather [hbm4b:s9+s0], $0x80, v4, vm0, $0xb8;
	[tilespmem:$0x1C100] =	vst v63  }
0xba: {  	s5 =	simm.s32 $0x5900  }
0xbb: {  	[tilespmem:s5], [sflag:$0x1] =	stream.indirect_vreg.gather [hbm4b:s10+s0], $0x80, v4, vm0, $0xb8;
	[tilespmem:$0x1C100] =	vst v63  }
0xbc: {  	s6 =	simm.s32 $0x6100  }
0xbd: {  	[tilespmem:s6], [sflag:$0x1] =	stream.indirect_vreg.gather [hbm4b:s3+s0], $0x80, v3, vm0, $0xb8;
	[tilespmem:$0x1C100] =	vst v63  }
0xbe: {  	s17 =	simm.s32 $0x6900  }
0xbf: {  	[tilespmem:s17], [sflag:$0x1] =	stream.indirect_vreg.gather [hbm4b:s8+s0], $0x80, v3, vm0, $0xb8;
	[tilespmem:$0x1C100] =	vst v63  }
0xc0: {  	s18 =	simm.s32 $0x7100  }
0xc1: {  	[tilespmem:s18], [sflag:$0x1] =	stream.indirect_vreg.gather [hbm4b:s9+s0], $0x80, v3, vm0, $0xb8;
	[tilespmem:$0x1C100] =	vst v63  }
0xc2: {  	s19 =	simm.s32 $0x7900  }
0xc3: {  	[tilespmem:s19], [sflag:$0x1] =	stream.indirect_vreg.gather [hbm4b:s10+s0], $0x80, v3, vm0, $0xb8;
	[tilespmem:$0x1C100] =	vst v63  }
0xc4: {  	v3 =	vld [tilespmem:$0x30];
	_ =	sdelay $0x4  }
0xc5: {  	v61 =	vshll.u32 v3, $0x3  }
0xc6: {  	v3 =	vand.u32 $0x7, v3;
	v4 =	vand.u32 $0xFFFFFFC0, v61  }
0xc7: {  	v3 =	vor.u32 v3, v4  }
0xc8: {  	v4 =	vperm.xlane v3, v0;
	_ =	sdelay $0x1  }
0xc9: {  	v4 =	vadd.s32 v1, v4;
	_ =	sdelay $0x3  }
0xca: {  	s4 =	simm.s32 $0x8100  }
0xcb: {  	[tilespmem:s4], [sflag:$0x1] =	stream.indirect_vreg.gather [hbm4b:s3+s0], $0x80, v4, vm0, $0xb8;
	[tilespmem:$0x1C100] =	vst v63  }
0xcc: {  	s5 =	simm.s32 $0x8900;
	v3 =	vperm.xlane v3, v2  }
0xcd: {  	[tilespmem:s5], [sflag:$0x1] =	stream.indirect_vreg.gather [hbm4b:s8+s0], $0x80, v4, vm0, $0xb8;
	[tilespmem:$0x1C100] =	vst v63  }
0xce: {  	s6 =	simm.s32 $0x9100;
	v3 =	vadd.s32 v1, v3  }
0xcf: {  	[tilespmem:s6], [sflag:$0x1] =	stream.indirect_vreg.gather [hbm4b:s9+s0], $0x80, v4, vm0, $0xb8;
	[tilespmem:$0x1C100] =	vst v63  }
0xd0: {  	s17 =	simm.s32 $0x9900  }
0xd1: {  	[tilespmem:s17], [sflag:$0x1] =	stream.indirect_vreg.gather [hbm4b:s10+s0], $0x80, v4, vm0, $0xb8;
	[tilespmem:$0x1C100] =	vst v63  }
0xd2: {  	s18 =	simm.s32 $0xA100  }
0xd3: {  	[tilespmem:s18], [sflag:$0x1] =	stream.indirect_vreg.gather [hbm4b:s3+s0], $0x80, v3, vm0, $0xb8;
	[tilespmem:$0x1C100] =	vst v63  }
0xd4: {  	s19 =	simm.s32 $0xA900  }
0xd5: {  	[tilespmem:s19], [sflag:$0x1] =	stream.indirect_vreg.gather [hbm4b:s8+s0], $0x80, v3, vm0, $0xb8;
	[tilespmem:$0x1C100] =	vst v63  }
0xd6: {  	s4 =	simm.s32 $0xB100  }
0xd7: {  	[tilespmem:s4], [sflag:$0x1] =	stream.indirect_vreg.gather [hbm4b:s9+s0], $0x80, v3, vm0, $0xb8;
	[tilespmem:$0x1C100] =	vst v63  }
0xd8: {  	s5 =	simm.s32 $0xB900  }
0xd9: {  	[tilespmem:s5], [sflag:$0x1] =	stream.indirect_vreg.gather [hbm4b:s10+s0], $0x80, v3, vm0, $0xb8;
	[tilespmem:$0x1C100] =	vst v63  }
0xda: {  	v3 =	vld [tilespmem:$0xA0];
	_ =	sdelay $0x4  }
0xdb: {  	v62 =	vshll.u32 v3, $0x3  }
0xdc: {  	v3 =	vand.u32 $0x7, v3;
	v4 =	vand.u32 $0xFFFFFFC0, v62  }
0xdd: {  	v3 =	vor.u32 v3, v4  }
0xde: {  	v4 =	vperm.xlane v3, v0;
	_ =	sdelay $0x1  }
0xdf: {  	v4 =	vadd.s32 v1, v4;
	_ =	sdelay $0x3  }
0xe0: {  	s6 =	simm.s32 $0xC100  }
0xe1: {  	[tilespmem:s6], [sflag:$0x2] =	stream.indirect_vreg.gather [hbm4b:s3+s0], $0x80, v4, vm0, $0xb8;
	[tilespmem:$0x1C100] =	vst v63  }
0xe2: {  	s17 =	simm.s32 $0xC900;
	v3 =	vperm.xlane v3, v2  }
0xe3: {  	[tilespmem:s17], [sflag:$0x2] =	stream.indirect_vreg.gather [hbm4b:s8+s0], $0x80, v4, vm0, $0xb8;
	[tilespmem:$0x1C100] =	vst v63  }
0xe4: {  	s18 =	simm.s32 $0xD100;
	v3 =	vadd.s32 v1, v3  }
0xe5: {  	[tilespmem:s18], [sflag:$0x2] =	stream.indirect_vreg.gather [hbm4b:s9+s0], $0x80, v4, vm0, $0xb8;
	[tilespmem:$0x1C100] =	vst v63  }
0xe6: {  	_ = 	snop  }
0xe7: {  	[tilespmem:s7], [sflag:$0x2] =	stream.indirect_vreg.gather [hbm4b:s10+s0], $0x80, v4, vm0, $0xb8;
	[tilespmem:$0x1C100] =	vst v63  }
0xe8: {  	_ = 	snop  }
0xe9: {  	[tilespmem:s11], [sflag:$0x2] =	stream.indirect_vreg.gather [hbm4b:s3+s0], $0x80, v3, vm0, $0xb8;
	[tilespmem:$0x1C100] =	vst v63  }
0xea: {  	_ = 	snop  }
0xeb: {  	[tilespmem:s12], [sflag:$0x2] =	stream.indirect_vreg.gather [hbm4b:s8+s0], $0x80, v3, vm0, $0xb8;
	[tilespmem:$0x1C100] =	vst v63  }
0xec: {  	_ = 	snop  }
0xed: {  	[tilespmem:s13], [sflag:$0x2] =	stream.indirect_vreg.gather [hbm4b:s9+s0], $0x80, v3, vm0, $0xb8;
	[tilespmem:$0x1C100] =	vst v63  }
0xee: {  	_ = 	snop  }
0xef: {  	[tilespmem:s20], [sflag:$0x2] =	stream.indirect_vreg.gather [hbm4b:s10+s0], $0x80, v3, vm0, $0xb8;
	[tilespmem:$0x1C100] =	vst v63  }
0xf0: {  	v3 =	vld [tilespmem:$0xB0];
	_ =	sdelay $0x4  }
0xf1: {  	v63 =	vshll.u32 v3, $0x3  }
0xf2: {  	v3 =	vand.u32 $0x7, v3;
	v4 =	vand.u32 $0xFFFFFFC0, v63  }
0xf3: {  	v3 =	vor.u32 v3, v4  }
0xf4: {  	v4 =	vperm.xlane v3, v0;
	_ =	sdelay $0x1  }
0xf5: {  	v4 =	vadd.s32 v1, v4;
	_ =	sdelay $0x4  }
0xf6: {  	[tilespmem:s14], [sflag:$0x2] =	stream.indirect_vreg.gather [hbm4b:s3+s0], $0x80, v4, vm0, $0xb8;
	[tilespmem:$0x1C100] =	vst v63  }
0xf7: {  	v3 =	vperm.xlane v3, v2  }
0xf8: {  	[tilespmem:s21], [sflag:$0x2] =	stream.indirect_vreg.gather [hbm4b:s8+s0], $0x80, v4, vm0, $0xb8;
	[tilespmem:$0x1C100] =	vst v63  }
0xf9: {  	v3 =	vadd.s32 v1, v3  }
0xfa: {  	[tilespmem:s15], [sflag:$0x2] =	stream.indirect_vreg.gather [hbm4b:s9+s0], $0x80, v4, vm0, $0xb8;
	[tilespmem:$0x1C100] =	vst v63  }
0xfb: {  	_ = 	snop  }
0xfc: {  	[tilespmem:s22], [sflag:$0x2] =	stream.indirect_vreg.gather [hbm4b:s10+s0], $0x80, v4, vm0, $0xb8;
	[tilespmem:$0x1C100] =	vst v63  }
0xfd: {  	_ = 	snop  }
0xfe: {  	[tilespmem:s23], [sflag:$0x2] =	stream.indirect_vreg.gather [hbm4b:s3+s0], $0x80, v3, vm0, $0xb8;
	[tilespmem:$0x1C100] =	vst v63  }
0xff: {  	_ = 	snop  }
0x100: {  	[tilespmem:s24], [sflag:$0x2] =	stream.indirect_vreg.gather [hbm4b:s8+s0], $0x80, v3, vm0, $0xb8;
	[tilespmem:$0x1C100] =	vst v63  }
0x101: {  	_ = 	snop  }
0x102: {  	[tilespmem:s25], [sflag:$0x2] =	stream.indirect_vreg.gather [hbm4b:s9+s0], $0x80, v3, vm0, $0xb8;
	[tilespmem:$0x1C100] =	vst v63  }
0x103: {  	_ = 	snop  }
0x104: {  	[tilespmem:s26], [sflag:$0x2] =	stream.indirect_vreg.gather [hbm4b:s10+s0], $0x80, v3, vm0, $0xb8;
	[tilespmem:$0x1C100] =	vst v63  }
0x105: {  	s19 =	rddreg [dreg:$0x9]  }
0x106: {  	[tilespmem:s28], [sflag:$0x3] =	stream.linear.gather [hbm4b:s19+s0], $0x8000, $0x38;
	[tilespmem:$0x1C100] =	vst v63  }
0x107: {  	_ =	swait.ge [sflag:s16], $0x8000  }
0x108: {  	[sflag:s16] =	ssyncset.done $0x0  }
0x109: {  	[sflag:s16] =	ssyncadd.s32 $0xFFFF8000  }
0x10a: {  	_ =	swait.ge [sflag:s29], $0x8000  }
0x10b: {  	[sflag:s29] =	ssyncset.done $0x0  }
0x10c: {  	[sflag:s29] =	ssyncadd.s32 $0xFFFF8000  }
0x10d: {  	_ =	swait.ge [sflag:s30], $0x8000  }
0x10e: {  	[sflag:s30] =	ssyncset.done $0x0  }
0x10f: {  	s1 =	simm.s32 $0x0;
	[sflag:s30] =	ssyncadd.s32 $0xFFFF8000  }
.LBB2_6:
0x110: {  	s4 =	sshll.u32 s1, $0x7;
	s5 =	sshll.u32 s1, $0xA  }
0x111: {  	s5 =	sand.u32 $0x6000, s5;
	s6 =	sand.u32 $0x380, s4  }
0x112: {  	s18 =	sand.u32 $0x1C00, s0;
	s17 =	sor.u32 s5, s6  }
0x113: {  	s19 =	sand.u32 $0x70, s0;
	v3 =	vld [tilespmem:s4+$0x1100];
	s5 =	sor.u32 s18, s17  }
0x114: {  	v4 =	vld [tilespmem:s4+$0x3100];
	s18 =	sor.u32 s19, s5  }
0x115: {  	v5 =	vld [tilespmem:s18+$0x4100]  }
0x116: {  	v6 =	vld [tilespmem:s18+$0xC100]  }
0x117: {  	v7 =	vld [tilespmem:s18+$0x14100];
	_ =	sdelay $0x2  }
0x118: {  	v5 =	vmul.f32 v5, v3  }
0x119: {  	s19 =	simm.s32 $0x80  }
0x11a: {  	s4 =	simm.s32 $0x20;
	s5 =	simm.s32 $0x10;
	s6 =	sand.u32 $0x1C00, s19;
	v6 =	vmul.f32 v6, v4;
	v5 =	vadd.f32 v5, v7  }
.LBB2_7:
0x11b: {  	p0 =	sne.s32 s4, $0x3F0;
	s5 =	sand.u32 $0x70, s5;
	s6 =	sor.u32 s6, s17  }
0x11c: {  	s6 =	sor.u32 s5, s6;
	v5 =	vadd.f32 v6, v5;
	s5 =	smov.u32 s4  }
0x11d: {  	v6 =	vld [tilespmem:s6+$0x4100]  }
0x11e: {  	v7 =	vld [tilespmem:s6+$0xC100];
	[tilespmem:s18+$0x14100] =	vst v5;
	s18 =	smov.u32 s6  }
0x11f: {  	v5 =	vld [tilespmem:s18+$0x14100]  }
.Ltmp2:
0x120: {  	(pc) =	sbr.rel @p0 .LBB2_7-.Ltmp2, $4  }
0x121: {  	_ = 	snop  }
0x122: {  	v6 =	vmul.f32 v6, v3  }
0x123: {  	s19 =	sadd.s32 $0x80, s19  }
0x124: {  	s4 =	sadd.s32 $0x10, s4;
	s6 =	sand.u32 $0x1C00, s19;
	v5 =	vadd.f32 v6, v5;
	v6 =	vmul.f32 v7, v4  }
0x125: {  	s4 =	sand.u32 $0x70, s5;
	s19 =	sor.u32 s6, s17  }
0x126: {  	s4 =	sor.u32 s4, s19;
	v5 =	vadd.f32 v6, v5  }
0x127: {  	v63 =	vld [tilespmem:s4+$0x4100]  }
0x128: {  	v7 =	vld [tilespmem:s4+$0xC100];
	[tilespmem:s18+$0x14100] =	vst v5  }
0x129: {  	v5 =	vld [tilespmem:s4+$0x14100];
	_ =	sdelay $0x2  }
0x12a: {  	s1 =	sadd.s32 $0x1, s1;
	v3 =	vmul.f32 v63, v3  }
0x12b: {  	p0 =	sne.s32 s1, $0x20  }
.Ltmp3:
0x12c: {  	v4 =	vmul.f32 v7, v4;
	v3 =	vadd.f32 v3, v5;
	(pc) =	sbr.rel @p0 .LBB2_6-.Ltmp3, $3  }
0x12d: {  	_ = 	snop  }
0x12e: {  	v3 =	vadd.f32 v4, v3;
	_ =	sdelay $0x1  }
0x12f: {  	[tilespmem:s4+$0x14100] =	vst v3  }
0x130: {  	s0 =	rddreg [dreg:$0xa]  }
0x131: {  	[hbm4b:s0+s2] =	stream.linear.scatter [tilespmem:s28], [sflag:$0x3], $0x8000, $0x38;
	[tilespmem:$0x1C100] =	vst v63  }
0x132: {  	_ =	swait.ge [sflag:s16], $0x8000  }
0x133: {  	s31 =	sadd.s32 $0x1, s31;
	s19 =	rddreg [dreg:$0xb]  }
0x134: {  	p0 =	sne.s32 s31, s19  }
.Ltmp4:
0x135: {  	_ = 	snop;
	(pc) =	sbr.rel @p0 .LBB2_1-.Ltmp4, $3  }
0x136: {  	_ =	sdelay $0x1  }
0x137: {  	[sflag:s16] =	ssyncset.done $0x0  }
0x138: {  	[sflag:s16] =	ssyncadd.s32 $0xFFFF8000  }
0x139: {  	_ =	sfence.sel $0x180000  }
0x13a: {  	[bflag:$0x0] =	sbarrier.arrive $0xFFFF  }
0x13b: {  	_ =	strace $0x9000004A  }
0x13c: {  	s0 =	stileid.u32;
	[bflag:$0x2] =	sbarrier.arrive $0xFFFF  }
0x13d: {  	p0 =	sne.s32 s0, $0x0;
	s0 =	rddreg [dreg:$0x2]  }
0x13e: {  	s0 =	sadd.s32 @!p0 $0x100000, s0  }
0x13f: {  	[sflag:s0] =	ssyncadd.tile.s32 @!p0 $0x1;
	_ =	shalt  }
.Lfunc_end2:
_tile_overlayer_lowered:
.L_overlay_start_2:
0x140: {  	(tag) =	ssettag $0x2  }
0x141: {  	s0 =	rddreg [dreg:$0x0];
	s2 =	stileid.u32  }
0x142: {  	s1 =	rddreg [dreg:$0x1];
	p0 =	sne.s32 s2, $0x0  }
0x143: {  	s3 =	rddreg [dreg:$0x2];
	[bflag:$0x3] =	sbarrier.arrive $0xFFFF;
	s2 =	simm.s32 @!p0 $0x1C03  }
0x144: {  	[timem:s3], [sflag:s2] =	dma.local @!p0 [hbm:s0], s1  }
0x145: {  	s0 =	simm.s32 @!p0 $0x3  }
0x146: {  	_ =	swait.ge @!p0 [sflag:s0], s1  }
0x147: {  	s1 =	ssub.s32 @!p0 $0x0, s1;
	[sflag:s0] =	ssyncset.done @!p0 $0x0  }
0x148: {  	[sflag:s0] =	ssyncadd.s32 @!p0 s1  }
0x149: {  	[bflag:$0x3] =	sbarrier.arrive $0xFFFF  }
0x14a: {  	_ =	shalt  }

// kernel: kernel.9.cloned.1.call-start
scs
__scs_entry_jumppad:
0x0: {  	(pc) =	sbr.rel $0x88, $3  }
0x1: {  	(tag) =	ssettag $0x0;
	lr =	simm.s32 $0x1  }
0x2: {  	[smem:$0x3F93] =	sst lr;
	_ =	strace $0xD0000000  }
0x3: {  	_ = 	snop  }
0x4: {  	_ = 	snop  }
0x5: {  	_ = 	snop  }
0x6: {  	_ = 	snop  }
0x7: {  	_ = 	snop  }
__scs_overlays_trampoline_lowered:
0x8: {  	[smem:$0x3FA2] =	sst s0  }
0x9: {  	[smem:$0x3FA3] =	sst s1  }
0xa: {  	[smem:$0x3FA4] =	sst s2  }
0xb: {  	[smem:$0x3FA5] =	sst s3  }
0xc: {  	[smem:$0x3FA6] =	sst s4  }
0xd: {  	[smem:$0x3FA7] =	sst s5  }
0xe: {  	[smem:$0x3FA8] =	sst s6  }
0xf: {  	[smem:$0x3FA9] =	sst s7  }
0x10: {  	[smem:$0x3FAA] =	sst s8  }
0x11: {  	[smem:$0x3FAB] =	sst s9;
	s0 =	simm.s32 @!p0 $0x0  }
0x12: {  	s1 =	sld [smem:$0x3F91];
	s0 =	simm.s32 @p0 $0x1  }
0x13: {  	[smem:$0x3FAC] =	sst s0;
	s0 =	simm.s32 @!p1 $0x0  }
0x14: {  	s2 =	sld [smem:$0x3F90];
	s0 =	simm.s32 @p1 $0x1  }
0x15: {  	[smem:$0x3FAD] =	sst s0;
	s0 =	simm.s32 @!p2 $0x0  }
0x16: {  	s3 =	sld [smem:$0x3FDB];
	s0 =	simm.s32 @p2 $0x1  }
0x17: {  	s4 =	simm.s32 $0x1BF5;
	[smem:$0x3FAF] =	sst s0  }
0x18: {  	s0 =	sld [smem:$0x3F92];
	_ =	swait.ge [sflag:s4], $0x0  }
0x19: {  	s7 =	sld [smem:$0x3F93]  }
0x1a: {  	s8 =	sadd.s32 $0xFFFFE003, lr  }
0x1b: {  	s9 =	sadd.s32 $0xFFFFFEF7, lr;
	s5 =	simm.s32 $0xFFFFFFFF;
	p2 =	slt.u32 s8, $0xFFFFF086  }
0x1c: {  	p1 =	slt.u32 s9, $0xF7A;
	s5 =	simm.s32 @!p2 $0x0  }
0x1d: {  	s5 =	simm.s32 @p1 $0x1;
	p0 =	seq.s32 s7, s2  }
0x1e: {  	s7 =	smul.u32 @!p0 $0xF7A, s2;
	p2 =	seq.s32 @!p0 s5, $0x0  }
0x1f: {  	s9 =	smul.u32 $0xF7A, s1;
	s8 =	simm.s32 @!p0 $0x1BF5;
	p2 =	por !p2, p0  }
0x20: {  	[sflag:s8] =	ssyncset.s32 @!p0 $0xFFFFF086;
	s6 =	sadd.s32 @!p0 s3, s7;
	s7 =	simm.s32 @!p0 $0x108  }
0x21: {  	s3 =	sadd.s32 s3, s9;
	s6 =	sadd.s32 @!p0 $0x88, s6;
	s7 =	simm.s32 @p2 $0x1082  }
0x22: {  	[simem:s7], [sflag:s8] =	dma.local @!p0 [hbm:s6], $0xF7A  }
0x23: {  	s9 =	sor.u32 $0xD0000000, s2;
	s6 =	simm.s32 $0x108;
	_ =	swait.ge @!p0 [sflag:s8], $0x0  }
0x24: {  	s3 =	sadd.s32 $0x88, s3;
	s6 =	simm.s32 @!p1 $0x1082;
	[sflag:s4] =	ssyncset.s32 $0xFFFFF086  }
0x25: {  	[simem:s6], [sflag:s4] =	dma.local [hbm:s3], $0xF7A  }
0x26: {  	[smem:$0x3F93] =	sst s1;
	(tag) =	ssettag s2;
	_ =	strace s9  }
0x27: {  	s1 =	sld [smem:$0x3FA3]  }
0x28: {  	s2 =	sld [smem:$0x3FA4]  }
0x29: {  	s4 =	sld [smem:$0x3FA6]  }
0x2a: {  	p0 =	seq.s32 s5, $0x0;
	s5 =	sld [smem:$0x3FA7]  }
0x2b: {  	s6 =	sld [smem:$0x3FA8]  }
0x2c: {  	s7 =	sld [smem:$0x3FA9]  }
0x2d: {  	s3 =	simm.s32 $0x108;
	s8 =	sld [smem:$0x3FAA]  }
0x2e: {  	s3 =	simm.s32 @!p0 $0x1082;
	s9 =	sld [smem:$0x3FAB]  }
0x2f: {  	lr =	sadd.s32 s0, s3;
	s0 =	sld [smem:$0x3FA2]  }
0x30: {  	s3 =	sld [smem:$0x3FA5]  }
0x31: {  	[smem:$0x3FAE] =	sst s10  }
0x32: {  	s10 =	sld [smem:$0x3FAC];
	_ =	sdelay $0x3  }
0x33: {  	p0 =	seq.s32 s10, $0x1;
	s10 =	sld [smem:$0x3FAE];
	_ =	sdelay $0x3  }
0x34: {  	[smem:$0x3FAE] =	sst s10  }
0x35: {  	s10 =	sld [smem:$0x3FAD];
	_ =	sdelay $0x3  }
0x36: {  	p1 =	seq.s32 s10, $0x1;
	s10 =	sld [smem:$0x3FAE];
	_ =	sdelay $0x3  }
0x37: {  	[smem:$0x3FAE] =	sst s10  }
0x38: {  	s10 =	sld [smem:$0x3FAF]  }
0x39: {  	_ = 	snop;
	(pc) =	sbr.ind lr, $3  }
0x3a: {  	_ = 	snop  }
0x3b: {  	_ = 	snop  }
0x3c: {  	p2 =	seq.s32 s10, $0x1;
	s10 =	sld [smem:$0x3FAE]  }
0x3d: {  	_ =	shalt  }
0x3e: {  	_ =	shalt  }
0x3f: {  	_ =	shalt  }
0x40: {  	_ =	shalt  }
0x41: {  	_ =	shalt  }
0x42: {  	_ =	shalt  }
0x43: {  	_ =	shalt  }
0x44: {  	_ =	shalt  }
0x45: {  	_ =	shalt  }
0x46: {  	_ =	shalt  }
0x47: {  	_ =	shalt  }
0x48: {  	_ =	shalt  }
0x49: {  	_ =	shalt  }
0x4a: {  	_ =	shalt  }
0x4b: {  	_ =	shalt  }
0x4c: {  	_ =	shalt  }
0x4d: {  	_ =	shalt  }
0x4e: {  	_ =	shalt  }
0x4f: {  	_ =	shalt  }
0x50: {  	_ =	shalt  }
0x51: {  	_ =	shalt  }
0x52: {  	_ =	shalt  }
0x53: {  	_ =	shalt  }
0x54: {  	_ =	shalt  }
0x55: {  	_ =	shalt  }
0x56: {  	_ =	shalt  }
0x57: {  	_ =	shalt  }
0x58: {  	_ =	shalt  }
0x59: {  	_ =	shalt  }
0x5a: {  	_ =	shalt  }
0x5b: {  	_ =	shalt  }
0x5c: {  	_ =	shalt  }
0x5d: {  	_ =	shalt  }
0x5e: {  	_ =	shalt  }
0x5f: {  	_ =	shalt  }
0x60: {  	_ =	shalt  }
0x61: {  	_ =	shalt  }
0x62: {  	_ =	shalt  }
0x63: {  	_ =	shalt  }
0x64: {  	_ =	shalt  }
0x65: {  	_ =	shalt  }
0x66: {  	_ =	shalt  }
0x67: {  	_ =	shalt  }
0x68: {  	_ =	shalt  }
0x69: {  	_ =	shalt  }
0x6a: {  	_ =	shalt  }
0x6b: {  	_ =	shalt  }
0x6c: {  	_ =	shalt  }
0x6d: {  	_ =	shalt  }
0x6e: {  	_ =	shalt  }
0x6f: {  	_ =	shalt  }
0x70: {  	_ =	shalt  }
0x71: {  	_ =	shalt  }
0x72: {  	_ =	shalt  }
0x73: {  	_ =	shalt  }
0x74: {  	_ =	shalt  }
0x75: {  	_ =	shalt  }
0x76: {  	_ =	shalt  }
0x77: {  	_ =	shalt  }
0x78: {  	_ =	shalt  }
0x79: {  	_ =	shalt  }
0x7a: {  	_ =	shalt  }
0x7b: {  	_ =	shalt  }
0x7c: {  	_ =	shalt  }
0x7d: {  	_ =	shalt  }
0x7e: {  	_ =	shalt  }
0x7f: {  	_ =	shalt  }
0x80: {  	_ =	shalt  }
0x81: {  	_ =	shalt  }
0x82: {  	_ =	shalt  }
0x83: {  	_ =	shalt  }
0x84: {  	_ =	shalt  }
0x85: {  	_ =	shalt  }
0x86: {  	_ =	shalt  }
0x87: {  	_ =	shalt  }
.Lfunc_end0:
.L_simem_size_0:
called_computation_lowered:
.L_overlay_start_0:
0x88: {  	s2 =	sld [smem:$0x3FD9]  }
0x89: {  	s3 =	sld [smem:$0x3FFE];
	_ =	sdelay $0x1  }
0x8a: {  	s1 =	srdreg.scid  }
0x8b: {  	s0 =	sand.u32 $0x1, s1  }
0x8c: {  	s17 =	sshll.u32 s0, $0xA;
	s2 =	sadd.s32 s3, s2  }
0x8d: {  	s2 =	sadd.s32 s2, s17  }
0x8e: {  	[smem:$0x3FBA] =	sst s2  }
0x8f: {  	_ = 	snop  }
0x90: {  	s2 =	sld [smem:$0x3FD0];
	(tm) =	ssettm $0x1  }
0x91: {  	s18 =	sld [smem:$0x3FFB];
	_ =	sdelay $0x3  }
0x92: {  	_ =	strace s18  }
0x93: {  	s3 =	sld [smem:$0x3FFC];
	_ =	sdelay $0x3  }
0x94: {  	_ =	strace s3  }
0x95: {  	s3 =	sld [smem:$0x3FFD];
	_ =	sdelay $0x3  }
0x96: {  	_ =	strace s3  }
0x97: {  	_ =	strace $0x8FFFFFFF  }
0x98: {  	s19 =	sld [smem:$0x3FDB];
	_ =	sdelay $0x1  }
0x99: {  	s4 =	simm.s32 $_scs_section_size  }
0x9a: {  	s5 =	simm.s32 $_size__tile_overlayer_lowered;
	s6 =	simm.s32 $_tile_overlayer_lowered  }
0x9b: {  	s22 =	simm.s32 $0x1BFF;
	s21 =	sshll.u32 s6, $0x1;
	s3 =	sadd.s32 s4, s19  }
0x9c: {  	s7 =	simm.s32 $0x0;
	s20 =	sshll.u32 s5, $0x1;
	s5 =	sadd.s32 s21, s3  }
0x9d: {  	[timem:s7], [sflag:s22] =	dma.local [hbm:s5], s20  }
0x9e: {  	_ =	swait.ge [sflag:s22], s20  }
0x9f: {  	s4 =	ssub.s32 $0x0, s20;
	[sflag:s22] =	ssyncset.done $0x0  }
0xa0: {  	[sflag:s22] =	ssyncadd.s32 s4;
	_ =	sdelay $0x1  }
0xa1: {  	s23 =	simm.s32 $0x1B8B  }
0xa2: {  	_ =	swait.ge [sflag:s23], $0x1  }
0xa3: {  	[sflag:s23] =	ssyncset.done $0x0  }
0xa4: {  	s25 =	simm.s32 $0x1B8E;
	s24 =	sld [smem:$0x3FFE];
	[sflag:s23] =	ssyncadd.s32 $0xFFFFFFFF  }
0xa5: {  	s26 =	simm.s32 $execute0_lowered;
	[smem:$0x3FD2] =	sst s25  }
0xa6: {  	s5 =	sshll.u32 s26, $0x1;
	_ =	strace $0x80000046;
	[dreg:$0x1] =	wrdreg $0xFFFFFFFF  }
0xa7: {  	s28 =	simm.s32 $_size_execute0_lowered;
	s3 =	sadd.s32 s3, s5;
	[dreg:$0x0] =	wrdreg $0x0  }
0xa8: {  	s5 =	sshll.u32 s28, $0x1;
	[dreg:$0x2] =	wrdreg s3  }
0xa9: {  	[dreg:$0x3] =	wrdreg s5  }
0xaa: {  	[dreg:$0x4] =	wrdreg $0xC0  }
0xab: {  	_ =	task [dreg:s7], $0x5FFFF  }
0xac: {  	[dreg:$0x1] =	wrdreg $0xFFFFFFFF  }
0xad: {  	[dreg:$0x0] =	wrdreg $0x60  }
0xae: {  	[dreg:$0x2] =	wrdreg s2  }
0xaf: {  	[dreg:$0x3] =	wrdreg s24  }
0xb0: {  	[dreg:$0x4] =	wrdreg $0x9  }
0xb1: {  	_ =	task.clear_ibuf [dreg:s7], $0x5FFFF;
	_ =	strace $0x90000046  }
0xb2: {  	s29 =	simm.s32 $0x9;
	_ =	strace $0x80000048  }
0xb3: {  	_ =	swait.ge [sflag:s29], $0x1  }
0xb4: {  	[sflag:s29] =	ssyncadd.s32 $0xFFFFFFFF  }
0xb5: {  	_ =	strace $0x90000048  }
0xb6: {  	_ =	sfence  }
0xb7: {  	s30 =	sld [smem:$0x0];
	_ =	sdelay $0x2  }
0xb8: {  	s31 =	sshll.u32 s1, $0xD;
	s1 =	sshrl.u32 s1, $0x2  }
0xb9: {  	s3 =	sand.u32 $0x4000, s31;
	s1 =	sadd.s32 s1, s30  }
0xba: {  	s0 =	sor.u32 s3, s0;
	s1 =	sshll.u32 s1, $0x11  }
0xbb: {  	s0 =	sor.u32 s1, s0  }
0xbc: {  	s0 =	sadd.s32 $0x8F2B, s0  }
0xbd: {  	[sflag:s0] =	ssyncadd.remote.s32 $0x1  }
0xbe: {  	_ =	sfence.sel $0xFFFF  }
0xbf: {  	[dreg:$0x0] =	wrdreg $0xFFFFFFFF;
	(pc) =	sbr.abs _section_cstart, $3  }
0xc0: {  	[dreg:$0x1] =	wrdreg $0xFFFFFFFF  }
0xc1: {  	_ =	task.clear_ibuf [dreg:s7], $0x2FFFF;
	_ =	strace $0x9FFFFFFF  }
0xc2: {  	(tm) =	ssettm $0x7FFFFFFF  }
0xc3: {  	_ =	shalt  }
tec
execute0_lowered:
.L_overlay_start_1:
0x0: {  	(tag) =	ssettag $0x1  }
0x1: {  	s0 =	rddreg [dreg:$0x1];
	s2 =	simm.s32 $0x0  }
0x2: {  	s1 =	srdreg.scid;
	s7 =	stileid.u32;
	s13 =	simm.s32 $0x2  }
0x3: {  	s15 =	simm.s32 $0x2080;
	s25 =	simm.s32 $0x1;
	s12 =	simm.s32 $0x6080  }
0x4: {  	s14 =	simm.s32 $0x6880;
	s11 =	simm.s32 $0x7880;
	s16 =	simm.s32 $0x8080  }
0x5: {  	s17 =	simm.s32 $0x8880;
	s18 =	simm.s32 $0x9080;
	s19 =	simm.s32 $0x9880  }
0x6: {  	s20 =	simm.s32 $0xA080;
	s21 =	simm.s32 $0xA880;
	s22 =	simm.s32 $0xB080  }
0x7: {  	s23 =	simm.s32 $0xB880;
	s24 =	simm.s32 $0xC080;
	[smem:$0x7FF] =	sst s2  }
0x8: {  	s1 =	sand.u32 $0x1, s1;
	s3 =	sadd.s32 $0x8B600, s0;
	s5 =	sadd.s32 $0x3600, s0  }
0x9: {  	s6 =	sadd.s32 $0x9BC00, s0;
	s30 =	sshll.u32 s7, $0x8;
	s8 =	sadd.s32 $0x3700, s0  }
0xa: {  	s9 =	sadd.s32 $0x3800, s0;
	s10 =	sadd.s32 $0x3900, s0;
	s29 =	ssub.s32 $0x2, s1  }
0xb: {  	s0 =	simm.s32 $0x0;
	_ =	strace $0x80000047;
	s4 =	sshrl.u32 s29, $0x1  }
0xc: {  	v0 =	vlaneseq.u32;
	[dreg:$0x3] =	wrdreg s3;
	s1 =	sshll.u32 s1, $0x7;
	s3 =	ssub.s32 s29, s4  }
0xd: {  	v1 =	vimm.s32 $0x800;
	vm0 =	vmmov $0xffff;
	v3 =	vshrl.u32 v0, $0x3;
	s7 =	sor.u32 s1, s30;
	s1 =	simm.s32 $0x5880;
	s31 =	smax.u32 s3, $0x1  }
0xe: {  	v2 =	vand.u32 $0x7, v0;
	v4 =	vor.u32 $0x8, v0;
	v3 =	vmul.u32 $0x8, v3;
	s4 =	simm.s32 $0x7080;
	s3 =	simm.s32 $0x11880;
	[dreg:$0x4] =	wrdreg s31  }
.LBB2_1:
0xf: {  	s26 =	rddreg [dreg:$0x0];
	s28 =	simm.s32 $0x1080  }
0x10: {  	[tilespmem:s28], [sflag:$0x2] =	stream.linear.gather [hbm4b:s26+s2], $0x800, $0x38;
	[tilespmem:$0x12080] =	vst v63  }
0x11: {  	_ =	swait.ge [sflag:s13], $0x800  }
0x12: {  	[sflag:s13] =	ssyncset.done $0x0  }
0x13: {  	s31 =	simm.s32 $0x1880;
	s30 =	rddreg [dreg:$0x3];
	[sflag:s13] =	ssyncadd.s32 $0xFFFFF800  }
0x14: {  	[tilespmem:s31], [sflag:$0x2] =	stream.linear.gather [hbm4b:s30+s2], $0x800, $0x38;
	[tilespmem:$0x12080] =	vst v63  }
0x15: {  	_ =	swait.ge [sflag:s13], $0x800  }
0x16: {  	[sflag:s13] =	ssyncset.done $0x0  }
0x17: {  	s26 =	simm.s32 $0x0;
	[sflag:s13] =	ssyncadd.s32 $0xFFFFF800  }
.LBB2_2:
0x18: {  	p0 =	sne.s32 s26, $0x3FC0  }
.Ltmp0:
0x19: {  	_ = 	snop;
	(pc) =	sbr.rel @p0 .LBB2_2-.Ltmp0, $3  }
0x1a: {  	_ =	sdelay $0x1  }
0x1b: {  	s28 =	sshra.s32 s26, $0x2  }
0x1c: {  	s26 =	sadd.s32 $0x40, s26;
	[tilespmem:s28+$0x0] =	vst v1  }
0x1d: {  	[dreg:$0x5] =	wrdreg s0;
	s26 =	simm.s32 $0x0  }
0x1e: {  	s28 =	simm.s32 $0x1080;
	s29 =	simm.s32 $0x1880;
	s30 =	simm.s32 $0x0  }
.LBB2_4:
0x1f: {  	v5 =	vld [tilespmem:s28+$0x0];
	_ =	sdelay $0x6  }
0x20: {  	v6 =	vor.u32 s30, v0  }
0x21: {  	[tilespmem:v5+s26+$0x0] =	vst.idx.msk $0xffff, v6  }
0x22: {  	v5 =	vld [tilespmem:s29+$0x0];
	_ =	sdelay $0x2  }
0x23: {  	p0 =	sne.s32 s30, $0x7F0  }
.Ltmp1:
0x24: {  	_ = 	snop;
	(pc) =	sbr.rel @p0 .LBB2_4-.Ltmp1, $2  }
0x25: {  	_ =	sdelay $0x2  }
0x26: {  	s28 =	sadd.s32 $0x10, s28;
	s30 =	sadd.s32 $0x10, s30;
	s29 =	sadd.s32 $0x10, s29;
	[tilespmem:v5+s26+$0x0] =	vst.idx.msk $0xffff, v6  }
0x27: {  	p0 =	por $0x1, $0x1;
	s28 =	simm.s32 $0xC880  }
0x28: {  	s29 =	simm.s32 $0xD080;
	s0 =	simm.s32 $0x10880;
	s30 =	simm.s32 $0x11080  }
.LBB2_6:
0x29: {  	s26 =	sor.u32 s7, s26  }
0x2a: {  	v5 =	vld [tilespmem:s26+$0x0];
	_ =	sdelay $0x4  }
0x2b: {  	v6 =	vshll.u32 v5, $0x3  }
0x2c: {  	v5 =	vand.u32 $0x7, v5;
	v6 =	vand.u32 $0xFFFFFFC0, v6  }
0x2d: {  	v5 =	vor.u32 v5, v6  }
0x2e: {  	v6 =	vperm.xlane v5, v2;
	_ =	sdelay $0x1  }
0x2f: {  	v6 =	vadd.s32 v3, v6;
	_ =	sdelay $0x4  }
0x30: {  	[tilespmem:s15], [sflag:$0x1] =	stream.indirect_vreg.gather [hbm4b:s5+s2], $0x80, v6, vm0, $0xb8;
	[tilespmem:$0x12080] =	vst v63  }
0x31: {  	s31 =	simm.s32 $0x2880;
	v5 =	vperm.xlane v5, v4  }
0x32: {  	[tilespmem:s31], [sflag:$0x1] =	stream.indirect_vreg.gather [hbm4b:s8+s2], $0x80, v6, vm0, $0xb8;
	[tilespmem:$0x12080] =	vst v63  }
0x33: {  	v5 =	vadd.s32 v3, v5;
	s31 =	simm.s32 $0x3080  }
0x34: {  	[tilespmem:s31], [sflag:$0x1] =	stream.indirect_vreg.gather [hbm4b:s9+s2], $0x80, v6, vm0, $0xb8;
	[tilespmem:$0x12080] =	vst v63  }
0x35: {  	s31 =	simm.s32 $0x3880  }
0x36: {  	[tilespmem:s31], [sflag:$0x1] =	stream.indirect_vreg.gather [hbm4b:s10+s2], $0x80, v6, vm0, $0xb8;
	[tilespmem:$0x12080] =	vst v63  }
0x37: {  	s31 =	simm.s32 $0x4080  }
0x38: {  	[tilespmem:s31], [sflag:$0x1] =	stream.indirect_vreg.gather [hbm4b:s5+s2], $0x80, v5, vm0, $0xb8;
	[tilespmem:$0x12080] =	vst v63  }
0x39: {  	s31 =	simm.s32 $0x4880  }
0x3a: {  	[tilespmem:s31], [sflag:$0x1] =	stream.indirect_vreg.gather [hbm4b:s8+s2], $0x80, v5, vm0, $0xb8;
	[tilespmem:$0x12080] =	vst v63  }
0x3b: {  	s31 =	simm.s32 $0x5080  }
0x3c: {  	[tilespmem:s31], [sflag:$0x1] =	stream.indirect_vreg.gather [hbm4b:s9+s2], $0x80, v5, vm0, $0xb8;
	[tilespmem:$0x12080] =	vst v63  }
0x3d: {  	_ = 	snop  }
0x3e: {  	[tilespmem:s1], [sflag:$0x1] =	stream.indirect_vreg.gather [hbm4b:s10+s2], $0x80, v5, vm0, $0xb8;
	[tilespmem:$0x12080] =	vst v63  }
0x3f: {  	v5 =	vld [tilespmem:s26+$0x10];
	_ =	sdelay $0x4  }
0x40: {  	v6 =	vshll.u32 v5, $0x3  }
0x41: {  	v5 =	vand.u32 $0x7, v5;
	v6 =	vand.u32 $0xFFFFFFC0, v6  }
0x42: {  	v5 =	vor.u32 v5, v6  }
0x43: {  	v6 =	vperm.xlane v5, v2;
	_ =	sdelay $0x1  }
0x44: {  	v6 =	vadd.s32 v3, v6;
	_ =	sdelay $0x4  }
0x45: {  	[tilespmem:s12], [sflag:$0x1] =	stream.indirect_vreg.gather [hbm4b:s5+s2], $0x80, v6, vm0, $0xb8;
	[tilespmem:$0x12080] =	vst v63  }
0x46: {  	v5 =	vperm.xlane v5, v4  }
0x47: {  	[tilespmem:s14], [sflag:$0x1] =	stream.indirect_vreg.gather [hbm4b:s8+s2], $0x80, v6, vm0, $0xb8;
	[tilespmem:$0x12080] =	vst v63  }
0x48: {  	v5 =	vadd.s32 v3, v5  }
0x49: {  	[tilespmem:s4], [sflag:$0x1] =	stream.indirect_vreg.gather [hbm4b:s9+s2], $0x80, v6, vm0, $0xb8;
	[tilespmem:$0x12080] =	vst v63  }
0x4a: {  	_ = 	snop  }
0x4b: {  	[tilespmem:s11], [sflag:$0x1] =	stream.indirect_vreg.gather [hbm4b:s10+s2], $0x80, v6, vm0, $0xb8;
	[tilespmem:$0x12080] =	vst v63  }
0x4c: {  	_ = 	snop  }
0x4d: {  	[tilespmem:s16], [sflag:$0x1] =	stream.indirect_vreg.gather [hbm4b:s5+s2], $0x80, v5, vm0, $0xb8;
	[tilespmem:$0x12080] =	vst v63  }
0x4e: {  	_ = 	snop  }
0x4f: {  	[tilespmem:s17], [sflag:$0x1] =	stream.indirect_vreg.gather [hbm4b:s8+s2], $0x80, v5, vm0, $0xb8;
	[tilespmem:$0x12080] =	vst v63  }
0x50: {  	_ = 	snop  }
0x51: {  	[tilespmem:s18], [sflag:$0x1] =	stream.indirect_vreg.gather [hbm4b:s9+s2], $0x80, v5, vm0, $0xb8;
	[tilespmem:$0x12080] =	vst v63  }
0x52: {  	_ = 	snop  }
0x53: {  	[tilespmem:s19], [sflag:$0x1] =	stream.indirect_vreg.gather [hbm4b:s10+s2], $0x80, v5, vm0, $0xb8;
	[tilespmem:$0x12080] =	vst v63  }
0x54: {  	v5 =	vld [tilespmem:s26+$0x20];
	_ =	sdelay $0x4  }
0x55: {  	v6 =	vshll.u32 v5, $0x3  }
0x56: {  	v5 =	vand.u32 $0x7, v5;
	v6 =	vand.u32 $0xFFFFFFC0, v6  }
0x57: {  	v5 =	vor.u32 v5, v6  }
0x58: {  	v6 =	vperm.xlane v5, v2;
	_ =	sdelay $0x1  }
0x59: {  	v6 =	vadd.s32 v3, v6;
	_ =	sdelay $0x4  }
0x5a: {  	[tilespmem:s20], [sflag:$0x1] =	stream.indirect_vreg.gather [hbm4b:s5+s2], $0x80, v6, vm0, $0xb8;
	[tilespmem:$0x12080] =	vst v63  }
0x5b: {  	v5 =	vperm.xlane v5, v4  }
0x5c: {  	[tilespmem:s21], [sflag:$0x1] =	stream.indirect_vreg.gather [hbm4b:s8+s2], $0x80, v6, vm0, $0xb8;
	[tilespmem:$0x12080] =	vst v63  }
0x5d: {  	v5 =	vadd.s32 v3, v5  }
0x5e: {  	[tilespmem:s22], [sflag:$0x1] =	stream.indirect_vreg.gather [hbm4b:s9+s2], $0x80, v6, vm0, $0xb8;
	[tilespmem:$0x12080] =	vst v63  }
0x5f: {  	_ = 	snop  }
0x60: {  	[tilespmem:s23], [sflag:$0x1] =	stream.indirect_vreg.gather [hbm4b:s10+s2], $0x80, v6, vm0, $0xb8;
	[tilespmem:$0x12080] =	vst v63  }
0x61: {  	_ = 	snop  }
0x62: {  	[tilespmem:s24], [sflag:$0x1] =	stream.indirect_vreg.gather [hbm4b:s5+s2], $0x80, v5, vm0, $0xb8;
	[tilespmem:$0x12080] =	vst v63  }
0x63: {  	_ = 	snop  }
0x64: {  	[tilespmem:s28], [sflag:$0x1] =	stream.indirect_vreg.gather [hbm4b:s8+s2], $0x80, v5, vm0, $0xb8;
	[tilespmem:$0x12080] =	vst v63  }
0x65: {  	_ = 	snop  }
0x66: {  	[tilespmem:s29], [sflag:$0x1] =	stream.indirect_vreg.gather [hbm4b:s9+s2], $0x80, v5, vm0, $0xb8;
	[tilespmem:$0x12080] =	vst v63  }
0x67: {  	s31 =	simm.s32 $0xD880  }
0x68: {  	[tilespmem:s31], [sflag:$0x1] =	stream.indirect_vreg.gather [hbm4b:s10+s2], $0x80, v5, vm0, $0xb8;
	[tilespmem:$0x12080] =	vst v63  }
0x69: {  	v5 =	vld [tilespmem:s26+$0x30];
	_ =	sdelay $0x4  }
0x6a: {  	v6 =	vshll.u32 v5, $0x3  }
0x6b: {  	v5 =	vand.u32 $0x7, v5;
	v6 =	vand.u32 $0xFFFFFFC0, v6  }
0x6c: {  	v5 =	vor.u32 v5, v6  }
0x6d: {  	v6 =	vperm.xlane v5, v2;
	_ =	sdelay $0x1  }
0x6e: {  	v6 =	vadd.s32 v3, v6;
	_ =	sdelay $0x3  }
0x6f: {  	s31 =	simm.s32 $0xE080  }
0x70: {  	[tilespmem:s31], [sflag:$0x1] =	stream.indirect_vreg.gather [hbm4b:s5+s2], $0x80, v6, vm0, $0xb8;
	[tilespmem:$0x12080] =	vst v63  }
0x71: {  	v5 =	vperm.xlane v5, v4;
	s31 =	simm.s32 $0xE880  }
0x72: {  	[tilespmem:s31], [sflag:$0x1] =	stream.indirect_vreg.gather [hbm4b:s8+s2], $0x80, v6, vm0, $0xb8;
	[tilespmem:$0x12080] =	vst v63  }
0x73: {  	v5 =	vadd.s32 v3, v5;
	s31 =	simm.s32 $0xF080  }
0x74: {  	[tilespmem:s31], [sflag:$0x1] =	stream.indirect_vreg.gather [hbm4b:s9+s2], $0x80, v6, vm0, $0xb8;
	[tilespmem:$0x12080] =	vst v63  }
0x75: {  	s31 =	simm.s32 $0xF880  }
0x76: {  	[tilespmem:s31], [sflag:$0x1] =	stream.indirect_vreg.gather [hbm4b:s10+s2], $0x80, v6, vm0, $0xb8;
	[tilespmem:$0x12080] =	vst v63  }
0x77: {  	s31 =	simm.s32 $0x10080  }
0x78: {  	[tilespmem:s31], [sflag:$0x1] =	stream.indirect_vreg.gather [hbm4b:s5+s2], $0x80, v5, vm0, $0xb8;
	[tilespmem:$0x12080] =	vst v63  }
0x79: {  	_ = 	snop  }
0x7a: {  	[tilespmem:s0], [sflag:$0x1] =	stream.indirect_vreg.gather [hbm4b:s8+s2], $0x80, v5, vm0, $0xb8;
	[tilespmem:$0x12080] =	vst v63  }
0x7b: {  	_ = 	snop  }
0x7c: {  	[tilespmem:s30], [sflag:$0x1] =	stream.indirect_vreg.gather [hbm4b:s9+s2], $0x80, v5, vm0, $0xb8;
	[tilespmem:$0x12080] =	vst v63  }
0x7d: {  	_ = 	snop  }
0x7e: {  	[tilespmem:s3], [sflag:$0x1] =	stream.indirect_vreg.gather [hbm4b:s10+s2], $0x80, v5, vm0, $0xb8;
	[tilespmem:$0x12080] =	vst v63  }
0x7f: {  	_ =	swait.ge [sflag:s25], $0x10000  }
0x80: {  	p1 =	por p0, p0;
	s26 =	sshll.u32 s26, $0x7;
	[sflag:s25] =	ssyncset.done $0x0  }
.Ltmp2:
0x81: {  	s26 =	sadd.s32 s6, s26;
	[sflag:s25] =	ssyncadd.s32 $0xFFFF0000;
	(pc) =	sbr.rel @p1 .LBB2_6-.Ltmp2, $4  }
0x82: {  	[hbm4b:s26+s2] =	stream.linear.scatter [tilespmem:s15], [sflag:$0x2], $0x10000, $0x38;
	[tilespmem:$0x12080] =	vst v63  }
0x83: {  	_ =	swait.ge [sflag:s13], $0x10000  }
0x84: {  	[sflag:s13] =	ssyncset.done $0x0  }
0x85: {  	p0 =	por $0x0, $0x0;
	s26 =	simm.s32 $0x40;
	[sflag:s13] =	ssyncadd.s32 $0xFFFF0000  }
0x86: {  	s0 =	rddreg [dreg:$0x5]  }
0x87: {  	s26 =	rddreg [dreg:$0x4];
	s0 =	sadd.s32 $0x1, s0  }
0x88: {  	p0 =	sne.s32 s0, s26  }
.Ltmp3:
0x89: {  	_ = 	snop;
	(pc) =	sbr.rel @p0 .LBB2_1-.Ltmp3, $1  }
0x8a: {  	_ =	sdelay $0x3  }
0x8b: {  	_ =	sfence.sel $0x180000  }
0x8c: {  	[bflag:$0x0] =	sbarrier.arrive $0xFFFF  }
0x8d: {  	_ =	strace $0x90000047  }
0x8e: {  	s0 =	stileid.u32;
	[bflag:$0x2] =	sbarrier.arrive $0xFFFF  }
0x8f: {  	p0 =	sne.s32 s0, $0x0;
	s0 =	rddreg [dreg:$0x2]  }
0x90: {  	s0 =	sadd.s32 @!p0 $0x100000, s0  }
0x91: {  	[sflag:s0] =	ssyncadd.tile.s32 @!p0 $0x1;
	_ =	shalt  }
.Lfunc_end2:
_tile_overlayer_lowered:
.L_overlay_start_2:
0x92: {  	(tag) =	ssettag $0x2  }
0x93: {  	s0 =	rddreg [dreg:$0x0];
	s2 =	stileid.u32  }
0x94: {  	s1 =	rddreg [dreg:$0x1];
	p0 =	sne.s32 s2, $0x0  }
0x95: {  	s3 =	rddreg [dreg:$0x2];
	[bflag:$0x3] =	sbarrier.arrive $0xFFFF;
	s2 =	simm.s32 @!p0 $0x1C02  }
0x96: {  	[timem:s3], [sflag:s2] =	dma.local @!p0 [hbm:s0], s1  }
0x97: {  	s0 =	simm.s32 @!p0 $0x2  }
0x98: {  	_ =	swait.ge @!p0 [sflag:s0], s1  }
0x99: {  	s1 =	ssub.s32 @!p0 $0x0, s1;
	[sflag:s0] =	ssyncset.done @!p0 $0x0  }
0x9a: {  	[sflag:s0] =	ssyncadd.s32 @!p0 s1  }
0x9b: {  	[bflag:$0x3] =	sbarrier.arrive $0xFFFF  }
0x9c: {  	_ =	shalt  }

</sc_bundles>
